<compile_context>
chip_gen: v7x
topology: tpu7x:2x2x1
jax: 0.10.2.dev20260603
libtpu: 0.0.44.dev20260713+nightly
codegen_flags: <defaults>
</compile_context>

<pallas_src>
import functools

import jax
import jax.numpy as jnp
from jax import lax
from jax.experimental import pallas as pl
from jax.experimental.pallas import tpu as pltpu
from jax.experimental.pallas import tpu_sc as plsc

N, M = 10000, 32
ORIG, NBR, F = 128, 16, 64
F2 = 2 * F

BLK = 400
ROWSF = BLK * M
GCH = 1000

_PREC = lax.Precision.DEFAULT


def _dot(a, b):
    return lax.dot_general(a, b, (((1,), (0,)), ((), ())),
                           precision=_PREC, preferred_element_type=jnp.float32)


def _sc_gather(table, idx_flat):
    n_idx = idx_flat.shape[0]
    mesh = plsc.VectorSubcoreMesh(core_axis_name="c", subcore_axis_name="s")
    n_workers = 32
    per_w = n_idx // n_workers

    @functools.partial(
        pl.kernel,
        mesh=mesh,
        out_type=jax.ShapeDtypeStruct((n_idx, F2), jnp.float32),
        scratch_types=[
            pltpu.VMEM((GCH,), jnp.int32),
            pltpu.VMEM((GCH, F2), jnp.float32),
            pltpu.SemaphoreType.DMA,
        ],
    )
    def gk(table_hbm, idx_hbm, out_hbm, idx_v, rows_v, sem):
        wid = lax.axis_index("s") * 2 + lax.axis_index("c")
        base = wid * per_w

        @pl.loop(0, per_w, step=GCH)
        def _(off):
            pltpu.sync_copy(idx_hbm.at[pl.ds(base + off, GCH)], idx_v)
            pltpu.async_copy(table_hbm.at[idx_v], rows_v, sem).wait()
            pltpu.sync_copy(rows_v, out_hbm.at[pl.ds(base + off, GCH)])

    return gk(table, idx_flat)


def _embed_body(a_ref, w_ref, b_ref, wn_ref, x_ref, y_ref):
    x = _dot(a_ref[...], w_ref[...]) + b_ref[...]
    x_ref[...] = x
    y_ref[...] = _dot(x, wn_ref[...])


def _embed(atom_fea, W_emb, b_emb, Wn0):
    return pl.pallas_call(
        _embed_body,
        grid=(N // 1000,),
        in_specs=[
            pl.BlockSpec((1000, ORIG), lambda i: (i, 0)),
            pl.BlockSpec((ORIG, F), lambda i: (0, 0)),
            pl.BlockSpec((1, F), lambda i: (0, 0)),
            pl.BlockSpec((F, F2), lambda i: (0, 0)),
        ],
        out_specs=[
            pl.BlockSpec((1000, F), lambda i: (i, 0)),
            pl.BlockSpec((1000, F2), lambda i: (i, 0)),
        ],
        out_shape=[
            jax.ShapeDtypeStruct((N, F), jnp.float32),
            jax.ShapeDtypeStruct((N, F2), jnp.float32),
        ],
    )(atom_fea, W_emb, b_emb.reshape(1, F), Wn0)


def _pass_a_body(g_ref, e_ref, x_ref, ws_ref, we_ref, bf_ref, st_ref):
    i = pl.program_id(0)
    s = _dot(x_ref[...], ws_ref[...]) + bf_ref[...]
    eterm = _dot(e_ref[...].reshape(ROWSF, NBR), we_ref[...])
    gated = (g_ref[...].reshape(ROWSF, F2) + eterm).reshape(M, BLK, F2)
    gated = gated + s[None, :, :]
    flat = gated.reshape(ROWSF, F2).astype(jnp.bfloat16)
    both = jnp.concatenate([flat, flat * flat], axis=1)
    upd = _dot(jnp.ones((8, ROWSF), jnp.bfloat16), both)

    @pl.when(i == 0)
    def _():
        st_ref[...] = upd

    @pl.when(i > 0)
    def _():
        st_ref[...] = st_ref[...] + upd


def _pass_a(g, e, x, Ws, We, bf):
    return pl.pallas_call(
        _pass_a_body,
        grid=(N // BLK,),
        in_specs=[
            pl.BlockSpec((M, BLK, F2), lambda i: (0, i, 0)),
            pl.BlockSpec((M, BLK, NBR), lambda i: (0, i, 0)),
            pl.BlockSpec((BLK, F), lambda i: (i, 0)),
            pl.BlockSpec((F, F2), lambda i: (0, 0)),
            pl.BlockSpec((NBR, F2), lambda i: (0, 0)),
            pl.BlockSpec((1, F2), lambda i: (0, 0)),
        ],
        out_specs=pl.BlockSpec((8, 2 * F2), lambda i: (0, 0)),
        out_shape=jax.ShapeDtypeStruct((8, 2 * F2), jnp.float32),
    )(g, e, x, Ws, We, bf.reshape(1, F2))


def _pass_b_body(g_ref, e_ref, x_ref, ws_ref, we_ref, bias_ref,
                 scale_ref, sum_ref, st_ref):
    i = pl.program_id(0)
    s = _dot(x_ref[...], ws_ref[...]) + bias_ref[...]
    eterm = _dot(e_ref[...].reshape(ROWSF, NBR), we_ref[...])
    gated = (g_ref[...].reshape(ROWSF, F2) * scale_ref[...]
             + eterm).reshape(M, BLK, F2)
    gated = (gated + s[None, :, :]).astype(jnp.bfloat16)
    u = gated[..., :F]
    v = gated[..., F:]
    sig = 0.5 * jnp.tanh(0.5 * u) + 0.5
    sp = jnp.maximum(v, 0.0) + jnp.log(1.0 + jnp.exp(-jnp.abs(v)))
    prod = (sig * sp).astype(jnp.float32)
    summed = jnp.sum(prod, axis=0)
    sum_ref[...] = summed
    both = jnp.concatenate([summed, summed * summed], axis=1)
    upd = _dot(jnp.ones((8, BLK), jnp.float32), both)

    @pl.when(i == 0)
    def _():
        st_ref[...] = upd

    @pl.when(i > 0)
    def _():
        st_ref[...] = st_ref[...] + upd


def _pass_b(g, e, x, Ws_f, We_f, bias_f, scale):
    return pl.pallas_call(
        _pass_b_body,
        grid=(N // BLK,),
        in_specs=[
            pl.BlockSpec((M, BLK, F2), lambda i: (0, i, 0)),
            pl.BlockSpec((M, BLK, NBR), lambda i: (0, i, 0)),
            pl.BlockSpec((BLK, F), lambda i: (i, 0)),
            pl.BlockSpec((F, F2), lambda i: (0, 0)),
            pl.BlockSpec((NBR, F2), lambda i: (0, 0)),
            pl.BlockSpec((1, F2), lambda i: (0, 0)),
            pl.BlockSpec((1, F2), lambda i: (0, 0)),
        ],
        out_specs=[
            pl.BlockSpec((BLK, F), lambda i: (i, 0)),
            pl.BlockSpec((8, F2), lambda i: (0, 0)),
        ],
        out_shape=[
            jax.ShapeDtypeStruct((N, F), jnp.float32),
            jax.ShapeDtypeStruct((8, F2), jnp.float32),
        ],
    )(g, e, x, Ws_f, We_f, bias_f.reshape(1, F2), scale.reshape(1, F2))


def _update_body(x_ref, sm_ref, a_ref, c_ref, wn_ref, o_ref, y_ref):
    xn = jax.nn.softplus(x_ref[...] + sm_ref[...] * a_ref[...] + c_ref[...])
    o_ref[...] = xn
    y_ref[...] = _dot(xn, wn_ref[...])


def _update(x, summed, a, c, Wn_next):
    return pl.pallas_call(
        _update_body,
        grid=(N // 1000,),
        in_specs=[
            pl.BlockSpec((1000, F), lambda i: (i, 0)),
            pl.BlockSpec((1000, F), lambda i: (i, 0)),
            pl.BlockSpec((1, F), lambda i: (0, 0)),
            pl.BlockSpec((1, F), lambda i: (0, 0)),
            pl.BlockSpec((F, F2), lambda i: (0, 0)),
        ],
        out_specs=[
            pl.BlockSpec((1000, F), lambda i: (i, 0)),
            pl.BlockSpec((1000, F2), lambda i: (i, 0)),
        ],
        out_shape=[
            jax.ShapeDtypeStruct((N, F), jnp.float32),
            jax.ShapeDtypeStruct((N, F2), jnp.float32),
        ],
    )(x, summed, a.reshape(1, F), c.reshape(1, F), Wn_next)


def _update_head_body(x_ref, sm_ref, a_ref, c_ref, wh_ref, bh_ref, o_ref):
    xn = jax.nn.softplus(x_ref[...] + sm_ref[...] * a_ref[...] + c_ref[...])
    o_ref[...] = _dot(xn, wh_ref[...]) + bh_ref[...]


def _update_head(x, summed, a, c, W_head, b_head):
    H = W_head.shape[1]
    return pl.pallas_call(
        _update_head_body,
        grid=(N // 1000,),
        in_specs=[
            pl.BlockSpec((1000, F), lambda i: (i, 0)),
            pl.BlockSpec((1000, F), lambda i: (i, 0)),
            pl.BlockSpec((1, F), lambda i: (0, 0)),
            pl.BlockSpec((1, F), lambda i: (0, 0)),
            pl.BlockSpec((F, H), lambda i: (0, 0)),
            pl.BlockSpec((1, H), lambda i: (0, 0)),
        ],
        out_specs=pl.BlockSpec((1000, H), lambda i: (i, 0)),
        out_shape=jax.ShapeDtypeStruct((N, H), jnp.float32),
    )(x, summed, a.reshape(1, F), c.reshape(1, F), W_head,
      b_head.reshape(1, H))


def _conv_layer(x, y, idx_flat, e, Wf, bf, g1, b1, g2n, b2n):
    Ws, We = Wf[:F], Wf[F2:]
    g = _sc_gather(y, idx_flat).reshape(M, N, F2)

    st = _pass_a(g, e, x, Ws, We.astype(jnp.bfloat16), bf)
    mean = st[0, :F2] / (N * M)
    var = st[0, F2:] / (N * M) - mean * mean
    scale = g1 * lax.rsqrt(var + 1e-5)
    shift = b1 - mean * scale

    Ws_f = Ws * scale
    We_f = We * scale
    bias_f = bf * scale + shift

    summed, st2 = _pass_b(g, e, x, Ws_f, We_f.astype(jnp.bfloat16),
                          bias_f, scale)
    m2 = st2[0, :F] / N
    v2 = st2[0, F:] / N - m2 * m2
    a = g2n * lax.rsqrt(v2 + 1e-5)
    c = b2n - m2 * a
    return summed, a, c


def kernel(atom_fea, nbr_fea, nbr_fea_idx, crystal_atom_idx, W_emb, b_emb,
           conv0_Wf, conv0_bf, conv0_g1, conv0_b1, conv0_g2, conv0_b2,
           conv1_Wf, conv1_bf, conv1_g1, conv1_b1, conv1_g2, conv1_b2,
           conv2_Wf, conv2_bf, conv2_g1, conv2_b1, conv2_g2, conv2_b2,
           W_head, b_head):
    del crystal_atom_idx
    idx_flat = nbr_fea_idx.T.reshape(N * M)
    e = nbr_fea.transpose(1, 0, 2).astype(jnp.bfloat16)

    x, y = _embed(atom_fea, W_emb, b_emb, conv0_Wf[F:F2])
    params = [
        (conv0_Wf, conv0_bf, conv0_g1, conv0_b1, conv0_g2, conv0_b2),
        (conv1_Wf, conv1_bf, conv1_g1, conv1_b1, conv1_g2, conv1_b2),
        (conv2_Wf, conv2_bf, conv2_g1, conv2_b1, conv2_g2, conv2_b2),
    ]
    for l, p in enumerate(params):
        summed, a, c = _conv_layer(x, y, idx_flat, e, *p)
        if l < 2:
            x, y = _update(x, summed, a, c, params[l + 1][0][F:F2])
        else:
            return _update_head(x, summed, a, c, W_head, b_head)

# --- scband reference (transcript-rebuilt; emitter-appended) ---
"""Pipeline reference for scband-crystal-graph-conv-net-58583353917528 (READ-ONLY COPY).

The authoritative reference and input builder live on the scoring server;
editing this copy changes nothing except your own understanding.
"""

import jax, jax.numpy as jnp
import numpy as np

N, M = 10000, 32
ORIG, NBR, F, H = 128, 16, 64, 128

def _bn(x, g, b):
    m = x.mean(axis=0)
    v = x.var(axis=0)
    return (x - m) / jnp.sqrt(v + 1e-5) * g + b

def _conv(atom_in, nbr_fea, nbr_idx, Wf, bf, g1, b1, g2, b2):
    n, m = nbr_idx.shape
    f = atom_in.shape[-1]
    atom_nbr = atom_in[nbr_idx]
    self_fea = jnp.broadcast_to(atom_in[:, None, :], (n, m, f))
    total = jnp.concatenate([self_fea, atom_nbr, nbr_fea], axis=2)
    gated = total @ Wf + bf
    gated = _bn(gated.reshape(-1, 2 * f), g1, b1).reshape(n, m, 2 * f)
    filt = jax.nn.sigmoid(gated[..., :f])
    core = jax.nn.softplus(gated[..., f:])
    summed = jnp.sum(filt * core, axis=1)
    summed = _bn(summed, g2, b2)
    return jax.nn.softplus(atom_in + summed)

def setup_inputs(seed: int = 0):
    key = jax.random.key(seed)
    ks = jax.random.split(key, 8)
    inp = {}
    inp['atom_fea'] = jax.random.normal(ks[0], (N, ORIG), jnp.float32)
    inp['nbr_fea'] = jax.random.normal(ks[1], (N, M, NBR), jnp.float32)
    inp['nbr_fea_idx'] = jax.random.randint(ks[2], (N, M), 0, N, jnp.int32)
    inp['crystal_atom_idx'] = jax.random.randint(ks[3], (N,), 0, N, jnp.int32)
    inp['W_emb'] = jax.random.normal(ks[4], (ORIG, F), jnp.float32) * 0.05
    inp['b_emb'] = jnp.zeros((F,), jnp.float32)
    for i in range(3):
        kk = jax.random.split(jax.random.fold_in(key, 100 + i), 2)
        inp['conv%d_Wf' % i] = jax.random.normal(kk[0], (2 * F + NBR, 2 * F), jnp.float32) * 0.05
        inp['conv%d_bf' % i] = jnp.zeros((2 * F,), jnp.float32)
        inp['conv%d_g1' % i] = jnp.ones((2 * F,), jnp.float32)
        inp['conv%d_b1' % i] = jnp.zeros((2 * F,), jnp.float32)
        inp['conv%d_g2' % i] = jnp.ones((F,), jnp.float32)
        inp['conv%d_b2' % i] = jnp.zeros((F,), jnp.float32)
    inp['W_head'] = jax.random.normal(ks[5], (F, H), jnp.float32) * 0.05
    inp['b_head'] = jnp.zeros((H,), jnp.float32)
    return inp

def reference(atom_fea, nbr_fea, nbr_fea_idx, crystal_atom_idx, W_emb, b_emb, conv0_Wf, conv0_bf, conv0_g1, conv0_b1, conv0_g2, conv0_b2, conv1_Wf, conv1_bf, conv1_g1, conv1_b1, conv1_g2, conv1_b2, conv2_Wf, conv2_bf, conv2_g1, conv2_b1, conv2_g2, conv2_b2, W_head, b_head):
    x = atom_fea @ W_emb + b_emb
    x = _conv(x, nbr_fea, nbr_fea_idx, conv0_Wf, conv0_bf, conv0_g1, conv0_b1, conv0_g2, conv0_b2)
    x = _conv(x, nbr_fea, nbr_fea_idx, conv1_Wf, conv1_bf, conv1_g1, conv1_b1, conv1_g2, conv1_b2)
    x = _conv(x, nbr_fea, nbr_fea_idx, conv2_Wf, conv2_bf, conv2_g1, conv2_b1, conv2_g2, conv2_b2)
    return x @ W_head + b_head

if __name__ == "__main__":
    import jax
    _d = setup_inputs()
    print(jax.jit(kernel)(*tuple(_d.values())))

</pallas_src>

<mosaic_0001>
#map = affine_map<(d0, d1) -> (0, 0)>
#map1 = affine_map<(d0, d1) -> (0)>
module attributes {stable_mosaic.version = 14 : i64} {
  func.func @gk(%arg0: i32, %arg1: i32, %arg2: memref<10000x128xf32, #tpu.memory_space<hbm>>, %arg3: memref<320000xi32, #tpu.memory_space<hbm>>, %arg4: memref<320000x128xf32, #tpu.memory_space<hbm>>, %arg5: memref<1000xi32, #tpu.memory_space<vmem>>, %arg6: memref<1000x128xf32, #tpu.memory_space<vmem>>, %arg7: memref<!tpu.dma_semaphore, #tpu.memory_space<semaphore_mem>>) attributes {dimension_semantics = [#tpu.dimension_semantics<core_parallel>, #tpu.dimension_semantics<subcore_parallel>], iteration_bounds = array<i64: 2, 16>, scalar_prefetch = 0 : i64, scratch_operands = 3 : i64, tpu.core_type = #tpu.core_type<sc_vector_subcore>, window_params = [{transform_indices = #map}, {transform_indices = #map1}, {transform_indices = #map}]} {
    %mul3A = arith.constant 2 : i32
    %mul3A_0 = arith.muli %arg1, %mul3A : i32
    %add3A = arith.addi %mul3A_0, %arg0 : i32
    %mul3A_1 = arith.constant 10000 : i32
    %mul3A_2 = arith.muli %add3A, %mul3A_1 : i32
    %scan3A = arith.constant 0 : i32
    %scan3A_3 = arith.constant 10 : i32
    %scan3A_4 = arith.addi %scan3A, %scan3A_3 : i32
    %scan3A_5 = arith.constant 1 : i32
    scf.for %scan3A_7 = %scan3A to %scan3A_4 step %scan3A_5  : i32 {
      %mul3A_8 = arith.constant 1000 : i32
      %mul3A_9 = arith.muli %scan3A_7, %mul3A_8 : i32
      %add3A_10 = arith.constant 0 : i32
      %add3A_11 = arith.addi %add3A_10, %mul3A_9 : i32
      %add3A_12 = arith.addi %mul3A_2, %add3A_11 : i32
      "tpu.region"() ({
        %run_scoped3A = tpu.sem_alloc : memref<!tpu.dma_semaphore, #tpu.memory_space<semaphore_mem>>
        %dma_start3A_18 = tpu.memref_slice %arg3[%add3A_12] : memref<320000xi32, #tpu.memory_space<hbm>> -> memref<1000xi32, #tpu.memory_space<hbm>>
        %dma_start3A_19 = tpu.memref_slice %arg3[%add3A_12] : memref<320000xi32, #tpu.memory_space<hbm>> -> memref<1000xi32, #tpu.memory_space<hbm>>
        tpu.enqueue_dma source(%dma_start3A_19 : memref<1000xi32, #tpu.memory_space<hbm>>) target(%arg5 : memref<1000xi32, #tpu.memory_space<vmem>>) target_semaphore(%run_scoped3A : memref<!tpu.dma_semaphore, #tpu.memory_space<semaphore_mem>>)
        %dma_wait3A_20 = tpu.memref_slice %arg3[%add3A_12] : memref<320000xi32, #tpu.memory_space<hbm>> -> memref<1000xi32, #tpu.memory_space<hbm>>
        %dma_wait3A_21 = tpu.memref_slice %arg3[%add3A_12] : memref<320000xi32, #tpu.memory_space<hbm>> -> memref<1000xi32, #tpu.memory_space<hbm>>
        tpu.wait_dma2 semaphore(%run_scoped3A : memref<!tpu.dma_semaphore, #tpu.memory_space<semaphore_mem>>) src(%dma_wait3A_21 : memref<1000xi32, #tpu.memory_space<hbm>>) dst(%arg5 : memref<1000xi32, #tpu.memory_space<vmem>>)
        tpu.yield
      }) : () -> ()
      %dma_start3A = arith.constant 0 : i32
      %dma_start3A_13 = arith.constant 0 : i32
      %dma_start3A_14 = tpu.memref_slice %arg2[%dma_start3A, %dma_start3A_13] : memref<10000x128xf32, #tpu.memory_space<hbm>> -> memref<10000x128xf32, #tpu.memory_space<hbm>>
      tpu.enqueue_indirect_dma source(%dma_start3A_14 : memref<10000x128xf32, #tpu.memory_space<hbm>>) target(%arg6 : memref<1000x128xf32, #tpu.memory_space<vmem>>) offsets(%arg5 : memref<1000xi32, #tpu.memory_space<vmem>>) semaphore(%arg7 : memref<!tpu.dma_semaphore, #tpu.memory_space<semaphore_mem>>)
      %dma_wait3A = arith.constant 0 : i32
      %dma_wait3A_15 = arith.constant 0 : i32
      %dma_wait3A_16 = tpu.memref_slice %arg2[%dma_wait3A, %dma_wait3A_15] : memref<10000x128xf32, #tpu.memory_space<hbm>> -> memref<10000x128xf32, #tpu.memory_space<hbm>>
      tpu.wait_indirect_dma semaphore(%arg7 : memref<!tpu.dma_semaphore, #tpu.memory_space<semaphore_mem>>) src(%dma_wait3A_16 : memref<10000x128xf32, #tpu.memory_space<hbm>>) dst(%arg6 : memref<1000x128xf32, #tpu.memory_space<vmem>>)
      %add3A_17 = arith.addi %mul3A_2, %add3A_11 : i32
      "tpu.region"() ({
        %run_scoped3A = tpu.sem_alloc : memref<!tpu.dma_semaphore, #tpu.memory_space<semaphore_mem>>
        %dma_start3A_18 = arith.constant 0 : i32
        %dma_start3A_19 = tpu.memref_slice %arg4[%add3A_17, %dma_start3A_18] : memref<320000x128xf32, #tpu.memory_space<hbm>> -> memref<1000x128xf32, #tpu.memory_space<hbm>>
        %dma_start3A_20 = arith.constant 0 : i32
        %dma_start3A_21 = tpu.memref_slice %arg4[%add3A_17, %dma_start3A_20] : memref<320000x128xf32, #tpu.memory_space<hbm>> -> memref<1000x128xf32, #tpu.memory_space<hbm>>
        tpu.enqueue_dma source(%arg6 : memref<1000x128xf32, #tpu.memory_space<vmem>>) target(%dma_start3A_21 : memref<1000x128xf32, #tpu.memory_space<hbm>>) target_semaphore(%run_scoped3A : memref<!tpu.dma_semaphore, #tpu.memory_space<semaphore_mem>>)
        %dma_wait3A_22 = arith.constant 0 : i32
        %dma_wait3A_23 = tpu.memref_slice %arg4[%add3A_17, %dma_wait3A_22] : memref<320000x128xf32, #tpu.memory_space<hbm>> -> memref<1000x128xf32, #tpu.memory_space<hbm>>
        %dma_wait3A_24 = arith.constant 0 : i32
        %dma_wait3A_25 = tpu.memref_slice %arg4[%add3A_17, %dma_wait3A_24] : memref<320000x128xf32, #tpu.memory_space<hbm>> -> memref<1000x128xf32, #tpu.memory_space<hbm>>
        tpu.wait_dma2 semaphore(%run_scoped3A : memref<!tpu.dma_semaphore, #tpu.memory_space<semaphore_mem>>) src(%arg6 : memref<1000x128xf32, #tpu.memory_space<vmem>>) dst(%dma_wait3A_25 : memref<1000x128xf32, #tpu.memory_space<hbm>>)
        tpu.yield
      }) : () -> ()
    }
    %scan3A_6 = arith.constant 10 : i32
    return
  }
}

#map = affine_map<(d0, d1) -> (0, 0)>
#map1 = affine_map<(d0, d1) -> (0)>
module attributes {stable_mosaic.version = 14 : i64} {
  func.func @gk(%arg0: i32, %arg1: i32, %arg2: memref<10000x128xf32, #tpu.memory_space<hbm>>, %arg3: memref<320000xi32, #tpu.memory_space<hbm>>, %arg4: memref<320000x128xf32, #tpu.memory_space<hbm>>, %arg5: memref<1000xi32, #tpu.memory_space<vmem>>, %arg6: memref<1000x128xf32, #tpu.memory_space<vmem>>, %arg7: memref<!tpu.dma_semaphore, #tpu.memory_space<semaphore_mem>>) attributes {dimension_semantics = [#tpu.dimension_semantics<core_parallel>, #tpu.dimension_semantics<subcore_parallel>], iteration_bounds = array<i64: 2, 16>, scalar_prefetch = 0 : i64, scratch_operands = 3 : i64, tpu.core_type = #tpu.core_type<sc_vector_subcore>, window_params = [{transform_indices = #map}, {transform_indices = #map1}, {transform_indices = #map}]} {
    %mul3A = arith.constant 2 : i32
    %mul3A_0 = arith.muli %arg1, %mul3A : i32
    %add3A = arith.addi %mul3A_0, %arg0 : i32
    %mul3A_1 = arith.constant 10000 : i32
    %mul3A_2 = arith.muli %add3A, %mul3A_1 : i32
    %scan3A = arith.constant 0 : i32
    %scan3A_3 = arith.constant 10 : i32
    %scan3A_4 = arith.addi %scan3A, %scan3A_3 : i32
    %scan3A_5 = arith.constant 1 : i32
    scf.for %scan3A_7 = %scan3A to %scan3A_4 step %scan3A_5  : i32 {
      %mul3A_8 = arith.constant 1000 : i32
      %mul3A_9 = arith.muli %scan3A_7, %mul3A_8 : i32
      %add3A_10 = arith.constant 0 : i32
      %add3A_11 = arith.addi %add3A_10, %mul3A_9 : i32
      %add3A_12 = arith.addi %mul3A_2, %add3A_11 : i32
      "tpu.region"() ({
        %run_scoped3A = tpu.sem_alloc : memref<!tpu.dma_semaphore, #tpu.memory_space<semaphore_mem>>
        %dma_start3A_18 = tpu.memref_slice %arg3[%add3A_12] : memref<320000xi32, #tpu.memory_space<hbm>> -> memref<1000xi32, #tpu.memory_space<hbm>>
        %dma_start3A_19 = tpu.memref_slice %arg3[%add3A_12] : memref<320000xi32, #tpu.memory_space<hbm>> -> memref<1000xi32, #tpu.memory_space<hbm>>
        tpu.enqueue_dma source(%dma_start3A_19 : memref<1000xi32, #tpu.memory_space<hbm>>) target(%arg5 : memref<1000xi32, #tpu.memory_space<vmem>>) target_semaphore(%run_scoped3A : memref<!tpu.dma_semaphore, #tpu.memory_space<semaphore_mem>>)
        %dma_wait3A_20 = tpu.memref_slice %arg3[%add3A_12] : memref<320000xi32, #tpu.memory_space<hbm>> -> memref<1000xi32, #tpu.memory_space<hbm>>
        %dma_wait3A_21 = tpu.memref_slice %arg3[%add3A_12] : memref<320000xi32, #tpu.memory_space<hbm>> -> memref<1000xi32, #tpu.memory_space<hbm>>
        tpu.wait_dma2 semaphore(%run_scoped3A : memref<!tpu.dma_semaphore, #tpu.memory_space<semaphore_mem>>) src(%dma_wait3A_21 : memref<1000xi32, #tpu.memory_space<hbm>>) dst(%arg5 : memref<1000xi32, #tpu.memory_space<vmem>>)
        tpu.yield
      }) : () -> ()
      %dma_start3A = arith.constant 0 : i32
      %dma_start3A_13 = arith.constant 0 : i32
      %dma_start3A_14 = tpu.memref_slice %arg2[%dma_start3A, %dma_start3A_13] : memref<10000x128xf32, #tpu.memory_space<hbm>> -> memref<10000x128xf32, #tpu.memory_space<hbm>>
      tpu.enqueue_indirect_dma source(%dma_start3A_14 : memref<10000x128xf32, #tpu.memory_space<hbm>>) target(%arg6 : memref<1000x128xf32, #tpu.memory_space<vmem>>) offsets(%arg5 : memref<1000xi32, #tpu.memory_space<vmem>>) semaphore(%arg7 : memref<!tpu.dma_semaphore, #tpu.memory_space<semaphore_mem>>)
      %dma_wait3A = arith.constant 0 : i32
      %dma_wait3A_15 = arith.constant 0 : i32
      %dma_wait3A_16 = tpu.memref_slice %arg2[%dma_wait3A, %dma_wait3A_15] : memref<10000x128xf32, #tpu.memory_space<hbm>> -> memref<10000x128xf32, #tpu.memory_space<hbm>>
      tpu.wait_indirect_dma semaphore(%arg7 : memref<!tpu.dma_semaphore, #tpu.memory_space<semaphore_mem>>) src(%dma_wait3A_16 : memref<10000x128xf32, #tpu.memory_space<hbm>>) dst(%arg6 : memref<1000x128xf32, #tpu.memory_space<vmem>>)
      %add3A_17 = arith.addi %mul3A_2, %add3A_11 : i32
      "tpu.region"() ({
        %run_scoped3A = tpu.sem_alloc : memref<!tpu.dma_semaphore, #tpu.memory_space<semaphore_mem>>
        %dma_start3A_18 = arith.constant 0 : i32
        %dma_start3A_19 = tpu.memref_slice %arg4[%add3A_17, %dma_start3A_18] : memref<320000x128xf32, #tpu.memory_space<hbm>> -> memref<1000x128xf32, #tpu.memory_space<hbm>>
        %dma_start3A_20 = arith.constant 0 : i32
        %dma_start3A_21 = tpu.memref_slice %arg4[%add3A_17, %dma_start3A_20] : memref<320000x128xf32, #tpu.memory_space<hbm>> -> memref<1000x128xf32, #tpu.memory_space<hbm>>
        tpu.enqueue_dma source(%arg6 : memref<1000x128xf32, #tpu.memory_space<vmem>>) target(%dma_start3A_21 : memref<1000x128xf32, #tpu.memory_space<hbm>>) target_semaphore(%run_scoped3A : memref<!tpu.dma_semaphore, #tpu.memory_space<semaphore_mem>>)
        %dma_wait3A_22 = arith.constant 0 : i32
        %dma_wait3A_23 = tpu.memref_slice %arg4[%add3A_17, %dma_wait3A_22] : memref<320000x128xf32, #tpu.memory_space<hbm>> -> memref<1000x128xf32, #tpu.memory_space<hbm>>
        %dma_wait3A_24 = arith.constant 0 : i32
        %dma_wait3A_25 = tpu.memref_slice %arg4[%add3A_17, %dma_wait3A_24] : memref<320000x128xf32, #tpu.memory_space<hbm>> -> memref<1000x128xf32, #tpu.memory_space<hbm>>
        tpu.wait_dma2 semaphore(%run_scoped3A : memref<!tpu.dma_semaphore, #tpu.memory_space<semaphore_mem>>) src(%arg6 : memref<1000x128xf32, #tpu.memory_space<vmem>>) dst(%dma_wait3A_25 : memref<1000x128xf32, #tpu.memory_space<hbm>>)
        tpu.yield
      }) : () -> ()
    }
    %scan3A_6 = arith.constant 10 : i32
    return
  }
}

#map = affine_map<(d0, d1) -> (0, 0)>
#map1 = affine_map<(d0, d1) -> (0)>
module attributes {stable_mosaic.version = 14 : i64} {
  func.func @gk(%arg0: i32, %arg1: i32, %arg2: memref<10000x128xf32, #tpu.memory_space<hbm>>, %arg3: memref<320000xi32, #tpu.memory_space<hbm>>, %arg4: memref<320000x128xf32, #tpu.memory_space<hbm>>, %arg5: memref<1000xi32, #tpu.memory_space<vmem>>, %arg6: memref<1000x128xf32, #tpu.memory_space<vmem>>, %arg7: memref<!tpu.dma_semaphore, #tpu.memory_space<semaphore_mem>>) attributes {dimension_semantics = [#tpu.dimension_semantics<core_parallel>, #tpu.dimension_semantics<subcore_parallel>], iteration_bounds = array<i64: 2, 16>, scalar_prefetch = 0 : i64, scratch_operands = 3 : i64, tpu.core_type = #tpu.core_type<sc_vector_subcore>, window_params = [{transform_indices = #map}, {transform_indices = #map1}, {transform_indices = #map}]} {
    %mul3A = arith.constant 2 : i32
    %mul3A_0 = arith.muli %arg1, %mul3A : i32
    %add3A = arith.addi %mul3A_0, %arg0 : i32
    %mul3A_1 = arith.constant 10000 : i32
    %mul3A_2 = arith.muli %add3A, %mul3A_1 : i32
    %scan3A = arith.constant 0 : i32
    %scan3A_3 = arith.constant 10 : i32
    %scan3A_4 = arith.addi %scan3A, %scan3A_3 : i32
    %scan3A_5 = arith.constant 1 : i32
    scf.for %scan3A_7 = %scan3A to %scan3A_4 step %scan3A_5  : i32 {
      %mul3A_8 = arith.constant 1000 : i32
      %mul3A_9 = arith.muli %scan3A_7, %mul3A_8 : i32
      %add3A_10 = arith.constant 0 : i32
      %add3A_11 = arith.addi %add3A_10, %mul3A_9 : i32
      %add3A_12 = arith.addi %mul3A_2, %add3A_11 : i32
      "tpu.region"() ({
        %run_scoped3A = tpu.sem_alloc : memref<!tpu.dma_semaphore, #tpu.memory_space<semaphore_mem>>
        %dma_start3A_18 = tpu.memref_slice %arg3[%add3A_12] : memref<320000xi32, #tpu.memory_space<hbm>> -> memref<1000xi32, #tpu.memory_space<hbm>>
        %dma_start3A_19 = tpu.memref_slice %arg3[%add3A_12] : memref<320000xi32, #tpu.memory_space<hbm>> -> memref<1000xi32, #tpu.memory_space<hbm>>
        tpu.enqueue_dma source(%dma_start3A_19 : memref<1000xi32, #tpu.memory_space<hbm>>) target(%arg5 : memref<1000xi32, #tpu.memory_space<vmem>>) target_semaphore(%run_scoped3A : memref<!tpu.dma_semaphore, #tpu.memory_space<semaphore_mem>>)
        %dma_wait3A_20 = tpu.memref_slice %arg3[%add3A_12] : memref<320000xi32, #tpu.memory_space<hbm>> -> memref<1000xi32, #tpu.memory_space<hbm>>
        %dma_wait3A_21 = tpu.memref_slice %arg3[%add3A_12] : memref<320000xi32, #tpu.memory_space<hbm>> -> memref<1000xi32, #tpu.memory_space<hbm>>
        tpu.wait_dma2 semaphore(%run_scoped3A : memref<!tpu.dma_semaphore, #tpu.memory_space<semaphore_mem>>) src(%dma_wait3A_21 : memref<1000xi32, #tpu.memory_space<hbm>>) dst(%arg5 : memref<1000xi32, #tpu.memory_space<vmem>>)
        tpu.yield
      }) : () -> ()
      %dma_start3A = arith.constant 0 : i32
      %dma_start3A_13 = arith.constant 0 : i32
      %dma_start3A_14 = tpu.memref_slice %arg2[%dma_start3A, %dma_start3A_13] : memref<10000x128xf32, #tpu.memory_space<hbm>> -> memref<10000x128xf32, #tpu.memory_space<hbm>>
      tpu.enqueue_indirect_dma source(%dma_start3A_14 : memref<10000x128xf32, #tpu.memory_space<hbm>>) target(%arg6 : memref<1000x128xf32, #tpu.memory_space<vmem>>) offsets(%arg5 : memref<1000xi32, #tpu.memory_space<vmem>>) semaphore(%arg7 : memref<!tpu.dma_semaphore, #tpu.memory_space<semaphore_mem>>)
      %dma_wait3A = arith.constant 0 : i32
      %dma_wait3A_15 = arith.constant 0 : i32
      %dma_wait3A_16 = tpu.memref_slice %arg2[%dma_wait3A, %dma_wait3A_15] : memref<10000x128xf32, #tpu.memory_space<hbm>> -> memref<10000x128xf32, #tpu.memory_space<hbm>>
      tpu.wait_indirect_dma semaphore(%arg7 : memref<!tpu.dma_semaphore, #tpu.memory_space<semaphore_mem>>) src(%dma_wait3A_16 : memref<10000x128xf32, #tpu.memory_space<hbm>>) dst(%arg6 : memref<1000x128xf32, #tpu.memory_space<vmem>>)
      %add3A_17 = arith.addi %mul3A_2, %add3A_11 : i32
      "tpu.region"() ({
        %run_scoped3A = tpu.sem_alloc : memref<!tpu.dma_semaphore, #tpu.memory_space<semaphore_mem>>
        %dma_start3A_18 = arith.constant 0 : i32
        %dma_start3A_19 = tpu.memref_slice %arg4[%add3A_17, %dma_start3A_18] : memref<320000x128xf32, #tpu.memory_space<hbm>> -> memref<1000x128xf32, #tpu.memory_space<hbm>>
        %dma_start3A_20 = arith.constant 0 : i32
        %dma_start3A_21 = tpu.memref_slice %arg4[%add3A_17, %dma_start3A_20] : memref<320000x128xf32, #tpu.memory_space<hbm>> -> memref<1000x128xf32, #tpu.memory_space<hbm>>
        tpu.enqueue_dma source(%arg6 : memref<1000x128xf32, #tpu.memory_space<vmem>>) target(%dma_start3A_21 : memref<1000x128xf32, #tpu.memory_space<hbm>>) target_semaphore(%run_scoped3A : memref<!tpu.dma_semaphore, #tpu.memory_space<semaphore_mem>>)
        %dma_wait3A_22 = arith.constant 0 : i32
        %dma_wait3A_23 = tpu.memref_slice %arg4[%add3A_17, %dma_wait3A_22] : memref<320000x128xf32, #tpu.memory_space<hbm>> -> memref<1000x128xf32, #tpu.memory_space<hbm>>
        %dma_wait3A_24 = arith.constant 0 : i32
        %dma_wait3A_25 = tpu.memref_slice %arg4[%add3A_17, %dma_wait3A_24] : memref<320000x128xf32, #tpu.memory_space<hbm>> -> memref<1000x128xf32, #tpu.memory_space<hbm>>
        tpu.wait_dma2 semaphore(%run_scoped3A : memref<!tpu.dma_semaphore, #tpu.memory_space<semaphore_mem>>) src(%arg6 : memref<1000x128xf32, #tpu.memory_space<vmem>>) dst(%dma_wait3A_25 : memref<1000x128xf32, #tpu.memory_space<hbm>>)
        tpu.yield
      }) : () -> ()
    }
    %scan3A_6 = arith.constant 10 : i32
    return
  }
}

module attributes {stable_mosaic.version = 14 : i64} {
  func.func @_embed_body(%arg0: i32, %arg1: memref<1000x128xf32, #tpu.memory_space<vmem>>, %arg2: memref<128x64xf32, #tpu.memory_space<vmem>>, %arg3: memref<1x64xf32, #tpu.memory_space<vmem>>, %arg4: memref<64x128xf32, #tpu.memory_space<vmem>>, %arg5: memref<1000x64xf32, #tpu.memory_space<vmem>>, %arg6: memref<1000x128xf32, #tpu.memory_space<vmem>>) attributes {dimension_semantics = [#tpu.dimension_semantics<arbitrary>], iteration_bounds = array<i64: 10>, scalar_prefetch = 0 : i64, scratch_operands = 0 : i64, tpu.core_type = #tpu.core_type<tc>, window_params = [{transform_indices = @transform_0, window_bounds = array<i64: 1000, 128>}, {pipeline_mode = #tpu.pipeline_mode<synchronous>, transform_indices = @transform_1, window_bounds = array<i64: 128, 64>}, {pipeline_mode = #tpu.pipeline_mode<synchronous>, transform_indices = @transform_2, window_bounds = array<i64: 1, 64>}, {pipeline_mode = #tpu.pipeline_mode<synchronous>, transform_indices = @transform_3, window_bounds = array<i64: 64, 128>}, {transform_indices = @transform_4, window_bounds = array<i64: 1000, 64>}, {transform_indices = @transform_5, window_bounds = array<i64: 1000, 128>}]} {
    %get3A = arith.constant 0 : index
    %get3A_0 = arith.constant 0 : index
    %get3A_1 = vector.load %arg1[%get3A, %get3A_0] : memref<1000x128xf32, #tpu.memory_space<vmem>>, vector<1000x128xf32>
    %get3A_2 = arith.constant 0 : index
    %get3A_3 = arith.constant 0 : index
    %get3A_4 = vector.load %arg2[%get3A_2, %get3A_3] : memref<128x64xf32, #tpu.memory_space<vmem>>, vector<128x64xf32>
    %dot_general3A = arith.constant dense<0.000000e+00> : vector<1000x64xf32>
    %dot_general3A_5 = tpu.matmul %get3A_1, %get3A_4, %dot_general3A {dimension_numbers = #tpu.dot_dimension_numbers<[1], [0], [0], [1], [0, 0, 1, 1], [], []>, transpose_lhs_hint = false} : vector<1000x128xf32>, vector<128x64xf32>, vector<1000x64xf32> -> vector<1000x64xf32>
    %get3A_6 = arith.constant 0 : index
    %get3A_7 = arith.constant 0 : index
    %get3A_8 = vector.load %arg3[%get3A_6, %get3A_7] : memref<1x64xf32, #tpu.memory_space<vmem>>, vector<1x64xf32>
    %add3A = vector.broadcast %get3A_8 : vector<1x64xf32> to vector<1000x64xf32>
    %add3A_9 = arith.addf %dot_general3A_5, %add3A : vector<1000x64xf32>
    %swap3A = arith.constant 0 : index
    %swap3A_10 = arith.constant 0 : index
    %swap3A_11 = vector.load %arg5[%swap3A, %swap3A_10] : memref<1000x64xf32, #tpu.memory_space<vmem>>, vector<1000x64xf32>
    tpu.vector_store %arg5[%swap3A, %swap3A_10], %add3A_9 {strides = array<i32>} : memref<1000x64xf32, #tpu.memory_space<vmem>>, vector<1000x64xf32>,
    %get3A_12 = arith.constant 0 : index
    %get3A_13 = arith.constant 0 : index
    %get3A_14 = vector.load %arg4[%get3A_12, %get3A_13] : memref<64x128xf32, #tpu.memory_space<vmem>>, vector<64x128xf32>
    %dot_general3A_15 = arith.constant dense<0.000000e+00> : vector<1000x128xf32>
    %dot_general3A_16 = tpu.matmul %add3A_9, %get3A_14, %dot_general3A_15 {dimension_numbers = #tpu.dot_dimension_numbers<[1], [0], [0], [1], [0, 0, 1, 1], [], []>, transpose_lhs_hint = false} : vector<1000x64xf32>, vector<64x128xf32>, vector<1000x128xf32> -> vector<1000x128xf32>
    %swap3A_17 = arith.constant 0 : index
    %swap3A_18 = arith.constant 0 : index
    %swap3A_19 = vector.load %arg6[%swap3A_17, %swap3A_18] : memref<1000x128xf32, #tpu.memory_space<vmem>>, vector<1000x128xf32>
    tpu.vector_store %arg6[%swap3A_17, %swap3A_18], %dot_general3A_16 {strides = array<i32>} : memref<1000x128xf32, #tpu.memory_space<vmem>>, vector<1000x128xf32>,
    return
  }
  func.func @transform_0(%arg0: i32) -> (i32, i32) {
    %c0_i32 = arith.constant 0 : i32
    %c0_i32_0 = arith.constant 0 : i32
    return %arg0, %c0_i32 : i32, i32
  }
  func.func @transform_1(%arg0: i32) -> (i32, i32) {
    %c0_i32 = arith.constant 0 : i32
    %c0_i32_0 = arith.constant 0 : i32
    %c0_i32_1 = arith.constant 0 : i32
    return %c0_i32, %c0_i32_0 : i32, i32
  }
  func.func @transform_2(%arg0: i32) -> (i32, i32) {
    %c0_i32 = arith.constant 0 : i32
    %c0_i32_0 = arith.constant 0 : i32
    %c0_i32_1 = arith.constant 0 : i32
    return %c0_i32, %c0_i32_0 : i32, i32
  }
  func.func @transform_3(%arg0: i32) -> (i32, i32) {
    %c0_i32 = arith.constant 0 : i32
    %c0_i32_0 = arith.constant 0 : i32
    %c0_i32_1 = arith.constant 0 : i32
    return %c0_i32, %c0_i32_0 : i32, i32
  }
  func.func @transform_4(%arg0: i32) -> (i32, i32) {
    %c0_i32 = arith.constant 0 : i32
    %c0_i32_0 = arith.constant 0 : i32
    return %arg0, %c0_i32 : i32, i32
  }
  func.func @transform_5(%arg0: i32) -> (i32, i32) {
    %c0_i32 = arith.constant 0 : i32
    %c0_i32_0 = arith.constant 0 : i32
    return %arg0, %c0_i32 : i32, i32
  }
}

module attributes {stable_mosaic.version = 14 : i64} {
  func.func @_pass_a_body(%arg0: i32, %arg1: memref<32x400x128xf32, #tpu.memory_space<vmem>>, %arg2: memref<32x400x16xbf16, #tpu.memory_space<vmem>>, %arg3: memref<400x64xf32, #tpu.memory_space<vmem>>, %arg4: memref<64x128xf32, #tpu.memory_space<vmem>>, %arg5: memref<16x128xbf16, #tpu.memory_space<vmem>>, %arg6: memref<1x128xf32, #tpu.memory_space<vmem>>, %arg7: memref<8x256xf32, #tpu.memory_space<vmem>>) attributes {dimension_semantics = [#tpu.dimension_semantics<arbitrary>], iteration_bounds = array<i64: 25>, scalar_prefetch = 0 : i64, scratch_operands = 0 : i64, tpu.core_type = #tpu.core_type<tc>, window_params = [{transform_indices = @transform_0, window_bounds = array<i64: 32, 400, 128>}, {transform_indices = @transform_1, window_bounds = array<i64: 32, 400, 16>}, {transform_indices = @transform_2, window_bounds = array<i64: 400, 64>}, {pipeline_mode = #tpu.pipeline_mode<synchronous>, transform_indices = @transform_3, window_bounds = array<i64: 64, 128>}, {pipeline_mode = #tpu.pipeline_mode<synchronous>, transform_indices = @transform_4, window_bounds = array<i64: 16, 128>}, {pipeline_mode = #tpu.pipeline_mode<synchronous>, transform_indices = @transform_5, window_bounds = array<i64: 1, 128>}, {pipeline_mode = #tpu.pipeline_mode<synchronous>, transform_indices = @transform_6, window_bounds = array<i64: 8, 256>}]} {
    %get3A = arith.constant 0 : index
    %get3A_0 = arith.constant 0 : index
    %get3A_1 = vector.load %arg3[%get3A, %get3A_0] : memref<400x64xf32, #tpu.memory_space<vmem>>, vector<400x64xf32>
    %get3A_2 = arith.constant 0 : index
    %get3A_3 = arith.constant 0 : index
    %get3A_4 = vector.load %arg4[%get3A_2, %get3A_3] : memref<64x128xf32, #tpu.memory_space<vmem>>, vector<64x128xf32>
    %dot_general3A = arith.constant dense<0.000000e+00> : vector<400x128xf32>
    %dot_general3A_5 = tpu.matmul %get3A_1, %get3A_4, %dot_general3A {dimension_numbers = #tpu.dot_dimension_numbers<[1], [0], [0], [1], [0, 0, 1, 1], [], []>, transpose_lhs_hint = false} : vector<400x64xf32>, vector<64x128xf32>, vector<400x128xf32> -> vector<400x128xf32>
    %get3A_6 = arith.constant 0 : index
    %get3A_7 = arith.constant 0 : index
    %get3A_8 = vector.load %arg6[%get3A_6, %get3A_7] : memref<1x128xf32, #tpu.memory_space<vmem>>, vector<1x128xf32>
    %add3A = vector.broadcast %get3A_8 : vector<1x128xf32> to vector<400x128xf32>
    %add3A_9 = arith.addf %dot_general3A_5, %add3A : vector<400x128xf32>
    %get3A_10 = arith.constant 0 : index
    %get3A_11 = arith.constant 0 : index
    %get3A_12 = arith.constant 0 : index
    %get3A_13 = vector.load %arg2[%get3A_10, %get3A_11, %get3A_12] : memref<32x400x16xbf16, #tpu.memory_space<vmem>>, vector<32x400x16xbf16>
    %reshape3A = vector.shape_cast %get3A_13 : vector<32x400x16xbf16> to vector<12800x16xbf16>
    %get3A_14 = arith.constant 0 : index
    %get3A_15 = arith.constant 0 : index
    %get3A_16 = vector.load %arg5[%get3A_14, %get3A_15] : memref<16x128xbf16, #tpu.memory_space<vmem>>, vector<16x128xbf16>
    %dot_general3A_17 = arith.constant dense<0.000000e+00> : vector<12800x128xf32>
    %dot_general3A_18 = tpu.matmul %reshape3A, %get3A_16, %dot_general3A_17 {dimension_numbers = #tpu.dot_dimension_numbers<[1], [0], [0], [1], [0, 0, 1, 1], [], []>, transpose_lhs_hint = false} : vector<12800x16xbf16>, vector<16x128xbf16>, vector<12800x128xf32> -> vector<12800x128xf32>
    %get3A_19 = arith.constant 0 : index
    %get3A_20 = arith.constant 0 : index
    %get3A_21 = arith.constant 0 : index
    %get3A_22 = vector.load %arg1[%get3A_19, %get3A_20, %get3A_21] : memref<32x400x128xf32, #tpu.memory_space<vmem>>, vector<32x400x128xf32>
    %reshape3A_23 = vector.shape_cast %get3A_22 : vector<32x400x128xf32> to vector<12800x128xf32>
    %add3A_24 = arith.addf %reshape3A_23, %dot_general3A_18 : vector<12800x128xf32>
    %reshape3A_25 = vector.shape_cast %add3A_24 : vector<12800x128xf32> to vector<32x400x128xf32>
    %broadcast_in_dim3A = vector.shape_cast %add3A_9 : vector<400x128xf32> to vector<1x400x128xf32>
    %add3A_26 = vector.broadcast %broadcast_in_dim3A : vector<1x400x128xf32> to vector<32x400x128xf32>
    %add3A_27 = arith.addf %reshape3A_25, %add3A_26 : vector<32x400x128xf32>
    %reshape3A_28 = vector.shape_cast %add3A_27 : vector<32x400x128xf32> to vector<12800x128xf32>
    %convert_element_type3A = arith.truncf %reshape3A_28 : vector<12800x128xf32> to vector<12800x128xbf16>
    %mul3A = arith.mulf %convert_element_type3A, %convert_element_type3A : vector<12800x128xbf16>
    %concatenate3A = tpu.concatenate %convert_element_type3A, %mul3A in 1 : vector<12800x128xbf16>, vector<12800x128xbf16> -> vector<12800x256xbf16>
    %broadcast_in_dim3A_29 = arith.constant 1.000000e+00 : bf16
    %broadcast_in_dim3A_30 = vector.broadcast %broadcast_in_dim3A_29 : bf16 to vector<8x12800xbf16>
    %dot_general3A_31 = arith.constant dense<0.000000e+00> : vector<8x256xf32>
    %dot_general3A_32 = tpu.matmul %broadcast_in_dim3A_30, %concatenate3A, %dot_general3A_31 {dimension_numbers = #tpu.dot_dimension_numbers<[1], [0], [0], [1], [0, 0, 1, 1], [], []>, transpose_lhs_hint = false} : vector<8x12800xbf16>, vector<12800x256xbf16>, vector<8x256xf32> -> vector<8x256xf32>
    %eq3A = arith.constant 0 : i32
    %eq3A_33 = arith.cmpi eq, %arg0, %eq3A : i32
    %convert_element_type3A_34 = arith.extui %eq3A_33 : i1 to i32
    %cond3A = arith.constant 0 : i32
    %cond3A_35 = arith.cmpi ne, %convert_element_type3A_34, %cond3A : i32
    scf.if %cond3A_35 {
      %swap3A = arith.constant 0 : index
      %swap3A_40 = arith.constant 0 : index
      %swap3A_41 = vector.load %arg7[%swap3A, %swap3A_40] : memref<8x256xf32, #tpu.memory_space<vmem>>, vector<8x256xf32>
      tpu.vector_store %arg7[%swap3A, %swap3A_40], %dot_general3A_32 {strides = array<i32>} : memref<8x256xf32, #tpu.memory_space<vmem>>, vector<8x256xf32>,
    } else {
    }
    %gt3A = arith.constant 0 : i32
    %gt3A_36 = arith.cmpi sgt, %arg0, %gt3A : i32
    %convert_element_type3A_37 = arith.extui %gt3A_36 : i1 to i32
    %cond3A_38 = arith.constant 0 : i32
    %cond3A_39 = arith.cmpi ne, %convert_element_type3A_37, %cond3A_38 : i32
    scf.if %cond3A_39 {
      %get3A_40 = arith.constant 0 : index
      %get3A_41 = arith.constant 0 : index
      %get3A_42 = vector.load %arg7[%get3A_40, %get3A_41] : memref<8x256xf32, #tpu.memory_space<vmem>>, vector<8x256xf32>
      %add3A_43 = arith.addf %get3A_42, %dot_general3A_32 : vector<8x256xf32>
      %swap3A = arith.constant 0 : index
      %swap3A_44 = arith.constant 0 : index
      %swap3A_45 = vector.load %arg7[%swap3A, %swap3A_44] : memref<8x256xf32, #tpu.memory_space<vmem>>, vector<8x256xf32>
      tpu.vector_store %arg7[%swap3A, %swap3A_44], %add3A_43 {strides = array<i32>} : memref<8x256xf32, #tpu.memory_space<vmem>>, vector<8x256xf32>,
    } else {
    }
    return
  }
  func.func @transform_0(%arg0: i32) -> (i32, i32, i32) {
    %c0_i32 = arith.constant 0 : i32
    %c0_i32_0 = arith.constant 0 : i32
    %c0_i32_1 = arith.constant 0 : i32
    return %c0_i32, %arg0, %c0_i32_0 : i32, i32, i32
  }
  func.func @transform_1(%arg0: i32) -> (i32, i32, i32) {
    %c0_i32 = arith.constant 0 : i32
    %c0_i32_0 = arith.constant 0 : i32
    %c0_i32_1 = arith.constant 0 : i32
    return %c0_i32, %arg0, %c0_i32_0 : i32, i32, i32
  }
  func.func @transform_2(%arg0: i32) -> (i32, i32) {
    %c0_i32 = arith.constant 0 : i32
    %c0_i32_0 = arith.constant 0 : i32
    return %arg0, %c0_i32 : i32, i32
  }
  func.func @transform_3(%arg0: i32) -> (i32, i32) {
    %c0_i32 = arith.constant 0 : i32
    %c0_i32_0 = arith.constant 0 : i32
    %c0_i32_1 = arith.constant 0 : i32
    return %c0_i32, %c0_i32_0 : i32, i32
  }
  func.func @transform_4(%arg0: i32) -> (i32, i32) {
    %c0_i32 = arith.constant 0 : i32
    %c0_i32_0 = arith.constant 0 : i32
    %c0_i32_1 = arith.constant 0 : i32
    return %c0_i32, %c0_i32_0 : i32, i32
  }
  func.func @transform_5(%arg0: i32) -> (i32, i32) {
    %c0_i32 = arith.constant 0 : i32
    %c0_i32_0 = arith.constant 0 : i32
    %c0_i32_1 = arith.constant 0 : i32
    return %c0_i32, %c0_i32_0 : i32, i32
  }
  func.func @transform_6(%arg0: i32) -> (i32, i32) {
    %c0_i32 = arith.constant 0 : i32
    %c0_i32_0 = arith.constant 0 : i32
    %c0_i32_1 = arith.constant 0 : i32
    return %c0_i32, %c0_i32_0 : i32, i32
  }
}

module attributes {stable_mosaic.version = 14 : i64} {
  func.func @_pass_b_body(%arg0: i32, %arg1: memref<32x400x128xf32, #tpu.memory_space<vmem>>, %arg2: memref<32x400x16xbf16, #tpu.memory_space<vmem>>, %arg3: memref<400x64xf32, #tpu.memory_space<vmem>>, %arg4: memref<64x128xf32, #tpu.memory_space<vmem>>, %arg5: memref<16x128xbf16, #tpu.memory_space<vmem>>, %arg6: memref<1x128xf32, #tpu.memory_space<vmem>>, %arg7: memref<1x128xf32, #tpu.memory_space<vmem>>, %arg8: memref<400x64xf32, #tpu.memory_space<vmem>>, %arg9: memref<8x128xf32, #tpu.memory_space<vmem>>) attributes {dimension_semantics = [#tpu.dimension_semantics<arbitrary>], iteration_bounds = array<i64: 25>, scalar_prefetch = 0 : i64, scratch_operands = 0 : i64, tpu.core_type = #tpu.core_type<tc>, window_params = [{transform_indices = @transform_0, window_bounds = array<i64: 32, 400, 128>}, {transform_indices = @transform_1, window_bounds = array<i64: 32, 400, 16>}, {transform_indices = @transform_2, window_bounds = array<i64: 400, 64>}, {pipeline_mode = #tpu.pipeline_mode<synchronous>, transform_indices = @transform_3, window_bounds = array<i64: 64, 128>}, {pipeline_mode = #tpu.pipeline_mode<synchronous>, transform_indices = @transform_4, window_bounds = array<i64: 16, 128>}, {pipeline_mode = #tpu.pipeline_mode<synchronous>, transform_indices = @transform_5, window_bounds = array<i64: 1, 128>}, {pipeline_mode = #tpu.pipeline_mode<synchronous>, transform_indices = @transform_6, window_bounds = array<i64: 1, 128>}, {transform_indices = @transform_7, window_bounds = array<i64: 400, 64>}, {pipeline_mode = #tpu.pipeline_mode<synchronous>, transform_indices = @transform_8, window_bounds = array<i64: 8, 128>}]} {
    %get3A = arith.constant 0 : index
    %get3A_0 = arith.constant 0 : index
    %get3A_1 = vector.load %arg3[%get3A, %get3A_0] : memref<400x64xf32, #tpu.memory_space<vmem>>, vector<400x64xf32>
    %get3A_2 = arith.constant 0 : index
    %get3A_3 = arith.constant 0 : index
    %get3A_4 = vector.load %arg4[%get3A_2, %get3A_3] : memref<64x128xf32, #tpu.memory_space<vmem>>, vector<64x128xf32>
    %dot_general3A = arith.constant dense<0.000000e+00> : vector<400x128xf32>
    %dot_general3A_5 = tpu.matmul %get3A_1, %get3A_4, %dot_general3A {dimension_numbers = #tpu.dot_dimension_numbers<[1], [0], [0], [1], [0, 0, 1, 1], [], []>, transpose_lhs_hint = false} : vector<400x64xf32>, vector<64x128xf32>, vector<400x128xf32> -> vector<400x128xf32>
    %get3A_6 = arith.constant 0 : index
    %get3A_7 = arith.constant 0 : index
    %get3A_8 = vector.load %arg6[%get3A_6, %get3A_7] : memref<1x128xf32, #tpu.memory_space<vmem>>, vector<1x128xf32>
    %add3A = vector.broadcast %get3A_8 : vector<1x128xf32> to vector<400x128xf32>
    %add3A_9 = arith.addf %dot_general3A_5, %add3A : vector<400x128xf32>
    %get3A_10 = arith.constant 0 : index
    %get3A_11 = arith.constant 0 : index
    %get3A_12 = arith.constant 0 : index
    %get3A_13 = vector.load %arg2[%get3A_10, %get3A_11, %get3A_12] : memref<32x400x16xbf16, #tpu.memory_space<vmem>>, vector<32x400x16xbf16>
    %reshape3A = vector.shape_cast %get3A_13 : vector<32x400x16xbf16> to vector<12800x16xbf16>
    %get3A_14 = arith.constant 0 : index
    %get3A_15 = arith.constant 0 : index
    %get3A_16 = vector.load %arg5[%get3A_14, %get3A_15] : memref<16x128xbf16, #tpu.memory_space<vmem>>, vector<16x128xbf16>
    %dot_general3A_17 = arith.constant dense<0.000000e+00> : vector<12800x128xf32>
    %dot_general3A_18 = tpu.matmul %reshape3A, %get3A_16, %dot_general3A_17 {dimension_numbers = #tpu.dot_dimension_numbers<[1], [0], [0], [1], [0, 0, 1, 1], [], []>, transpose_lhs_hint = false} : vector<12800x16xbf16>, vector<16x128xbf16>, vector<12800x128xf32> -> vector<12800x128xf32>
    %get3A_19 = arith.constant 0 : index
    %get3A_20 = arith.constant 0 : index
    %get3A_21 = arith.constant 0 : index
    %get3A_22 = vector.load %arg1[%get3A_19, %get3A_20, %get3A_21] : memref<32x400x128xf32, #tpu.memory_space<vmem>>, vector<32x400x128xf32>
    %reshape3A_23 = vector.shape_cast %get3A_22 : vector<32x400x128xf32> to vector<12800x128xf32>
    %get3A_24 = arith.constant 0 : index
    %get3A_25 = arith.constant 0 : index
    %get3A_26 = vector.load %arg7[%get3A_24, %get3A_25] : memref<1x128xf32, #tpu.memory_space<vmem>>, vector<1x128xf32>
    %mul3A = vector.broadcast %get3A_26 : vector<1x128xf32> to vector<12800x128xf32>
    %mul3A_27 = arith.mulf %reshape3A_23, %mul3A : vector<12800x128xf32>
    %add3A_28 = arith.addf %mul3A_27, %dot_general3A_18 : vector<12800x128xf32>
    %reshape3A_29 = vector.shape_cast %add3A_28 : vector<12800x128xf32> to vector<32x400x128xf32>
    %broadcast_in_dim3A = vector.shape_cast %add3A_9 : vector<400x128xf32> to vector<1x400x128xf32>
    %add3A_30 = vector.broadcast %broadcast_in_dim3A : vector<1x400x128xf32> to vector<32x400x128xf32>
    %add3A_31 = arith.addf %reshape3A_29, %add3A_30 : vector<32x400x128xf32>
    %convert_element_type3A = arith.truncf %add3A_31 : vector<32x400x128xf32> to vector<32x400x128xbf16>
    %slice3A = vector.extract_strided_slice %convert_element_type3A {offsets = [0, 0, 0], sizes = [32, 400, 64], strides = [1, 1, 1]} : vector<32x400x128xbf16> to vector<32x400x64xbf16>
    %slice3A_32 = vector.extract_strided_slice %convert_element_type3A {offsets = [0, 0, 64], sizes = [32, 400, 64], strides = [1, 1, 1]} : vector<32x400x128xbf16> to vector<32x400x64xbf16>
    %mul3A_33 = arith.constant 5.000000e-01 : bf16
    %mul3A_34 = vector.broadcast %mul3A_33 : bf16 to vector<32x400x64xbf16>
    %mul3A_35 = arith.mulf %mul3A_34, %slice3A : vector<32x400x64xbf16>
    %tanh3A = math.tanh %mul3A_35 : vector<32x400x64xbf16>
    %mul3A_36 = arith.constant 5.000000e-01 : bf16
    %mul3A_37 = vector.broadcast %mul3A_36 : bf16 to vector<32x400x64xbf16>
    %mul3A_38 = arith.mulf %mul3A_37, %tanh3A : vector<32x400x64xbf16>
    %add3A_39 = arith.constant 5.000000e-01 : bf16
    %add3A_40 = vector.broadcast %add3A_39 : bf16 to vector<32x400x64xbf16>
    %add3A_41 = arith.addf %mul3A_38, %add3A_40 : vector<32x400x64xbf16>
    %max3A = arith.constant 0.000000e+00 : bf16
    %max3A_42 = vector.broadcast %max3A : bf16 to vector<32x400x64xbf16>
    %max3A_43 = arith.maximumf %slice3A_32, %max3A_42 : vector<32x400x64xbf16>
    %abs3A = math.absf %slice3A_32 : vector<32x400x64xbf16>
    %neg3A = arith.constant 0.000000e+00 : bf16
    %neg3A_44 = vector.broadcast %neg3A : bf16 to vector<32x400x64xbf16>
    %neg3A_45 = arith.subf %neg3A_44, %abs3A : vector<32x400x64xbf16>
    %exp3A = math.exp %neg3A_45 : vector<32x400x64xbf16>
    %add3A_46 = arith.constant 1.000000e+00 : bf16
    %add3A_47 = vector.broadcast %add3A_46 : bf16 to vector<32x400x64xbf16>
    %add3A_48 = arith.addf %add3A_47, %exp3A : vector<32x400x64xbf16>
    %log3A = math.log %add3A_48 : vector<32x400x64xbf16>
    %add3A_49 = arith.addf %max3A_43, %log3A : vector<32x400x64xbf16>
    %mul3A_50 = arith.mulf %add3A_41, %add3A_49 : vector<32x400x64xbf16>
    %convert_element_type3A_51 = arith.extf %mul3A_50 : vector<32x400x64xbf16> to vector<32x400x64xf32>
    %reduce_sum3A = arith.constant dense<0.000000e+00> : vector<400x64xf32>
    %reduce_sum3A_52 = vector.multi_reduction <add>, %convert_element_type3A_51, %reduce_sum3A [0] : vector<32x400x64xf32> to vector<400x64xf32>
    %swap3A = arith.constant 0 : index
    %swap3A_53 = arith.constant 0 : index
    %swap3A_54 = vector.load %arg8[%swap3A, %swap3A_53] : memref<400x64xf32, #tpu.memory_space<vmem>>, vector<400x64xf32>
    tpu.vector_store %arg8[%swap3A, %swap3A_53], %reduce_sum3A_52 {strides = array<i32>} : memref<400x64xf32, #tpu.memory_space<vmem>>, vector<400x64xf32>,
    %mul3A_55 = arith.mulf %reduce_sum3A_52, %reduce_sum3A_52 : vector<400x64xf32>
    %concatenate3A = tpu.concatenate %reduce_sum3A_52, %mul3A_55 in 1 : vector<400x64xf32>, vector<400x64xf32> -> vector<400x128xf32>
    %broadcast_in_dim3A_56 = arith.constant 1.000000e+00 : f32
    %broadcast_in_dim3A_57 = vector.broadcast %broadcast_in_dim3A_56 : f32 to vector<8x400xf32>
    %dot_general3A_58 = arith.constant dense<0.000000e+00> : vector<8x128xf32>
    %dot_general3A_59 = tpu.matmul %broadcast_in_dim3A_57, %concatenate3A, %dot_general3A_58 {dimension_numbers = #tpu.dot_dimension_numbers<[1], [0], [0], [1], [0, 0, 1, 1], [], []>, transpose_lhs_hint = false} : vector<8x400xf32>, vector<400x128xf32>, vector<8x128xf32> -> vector<8x128xf32>
    %eq3A = arith.constant 0 : i32
    %eq3A_60 = arith.cmpi eq, %arg0, %eq3A : i32
    %convert_element_type3A_61 = arith.extui %eq3A_60 : i1 to i32
    %cond3A = arith.constant 0 : i32
    %cond3A_62 = arith.cmpi ne, %convert_element_type3A_61, %cond3A : i32
    scf.if %cond3A_62 {
      %swap3A_67 = arith.constant 0 : index
      %swap3A_68 = arith.constant 0 : index
      %swap3A_69 = vector.load %arg9[%swap3A_67, %swap3A_68] : memref<8x128xf32, #tpu.memory_space<vmem>>, vector<8x128xf32>
      tpu.vector_store %arg9[%swap3A_67, %swap3A_68], %dot_general3A_59 {strides = array<i32>} : memref<8x128xf32, #tpu.memory_space<vmem>>, vector<8x128xf32>,
    } else {
    }
    %gt3A = arith.constant 0 : i32
    %gt3A_63 = arith.cmpi sgt, %arg0, %gt3A : i32
    %convert_element_type3A_64 = arith.extui %gt3A_63 : i1 to i32
    %cond3A_65 = arith.constant 0 : i32
    %cond3A_66 = arith.cmpi ne, %convert_element_type3A_64, %cond3A_65 : i32
    scf.if %cond3A_66 {
      %get3A_67 = arith.constant 0 : index
      %get3A_68 = arith.constant 0 : index
      %get3A_69 = vector.load %arg9[%get3A_67, %get3A_68] : memref<8x128xf32, #tpu.memory_space<vmem>>, vector<8x128xf32>
      %add3A_70 = arith.addf %get3A_69, %dot_general3A_59 : vector<8x128xf32>
      %swap3A_71 = arith.constant 0 : index
      %swap3A_72 = arith.constant 0 : index
      %swap3A_73 = vector.load %arg9[%swap3A_71, %swap3A_72] : memref<8x128xf32, #tpu.memory_space<vmem>>, vector<8x128xf32>
      tpu.vector_store %arg9[%swap3A_71, %swap3A_72], %add3A_70 {strides = array<i32>} : memref<8x128xf32, #tpu.memory_space<vmem>>, vector<8x128xf32>,
    } else {
    }
    return
  }
  func.func @transform_0(%arg0: i32) -> (i32, i32, i32) {
    %c0_i32 = arith.constant 0 : i32
    %c0_i32_0 = arith.constant 0 : i32
    %c0_i32_1 = arith.constant 0 : i32
    return %c0_i32, %arg0, %c0_i32_0 : i32, i32, i32
  }
  func.func @transform_1(%arg0: i32) -> (i32, i32, i32) {
    %c0_i32 = arith.constant 0 : i32
    %c0_i32_0 = arith.constant 0 : i32
    %c0_i32_1 = arith.constant 0 : i32
    return %c0_i32, %arg0, %c0_i32_0 : i32, i32, i32
  }
  func.func @transform_2(%arg0: i32) -> (i32, i32) {
    %c0_i32 = arith.constant 0 : i32
    %c0_i32_0 = arith.constant 0 : i32
    return %arg0, %c0_i32 : i32, i32
  }
  func.func @transform_3(%arg0: i32) -> (i32, i32) {
    %c0_i32 = arith.constant 0 : i32
    %c0_i32_0 = arith.constant 0 : i32
    %c0_i32_1 = arith.constant 0 : i32
    return %c0_i32, %c0_i32_0 : i32, i32
  }
  func.func @transform_4(%arg0: i32) -> (i32, i32) {
    %c0_i32 = arith.constant 0 : i32
    %c0_i32_0 = arith.constant 0 : i32
    %c0_i32_1 = arith.constant 0 : i32
    return %c0_i32, %c0_i32_0 : i32, i32
  }
  func.func @transform_5(%arg0: i32) -> (i32, i32) {
    %c0_i32 = arith.constant 0 : i32
    %c0_i32_0 = arith.constant 0 : i32
    %c0_i32_1 = arith.constant 0 : i32
    return %c0_i32, %c0_i32_0 : i32, i32
  }
  func.func @transform_6(%arg0: i32) -> (i32, i32) {
    %c0_i32 = arith.constant 0 : i32
    %c0_i32_0 = arith.constant 0 : i32
    %c0_i32_1 = arith.constant 0 : i32
    return %c0_i32, %c0_i32_0 : i32, i32
  }
  func.func @transform_7(%arg0: i32) -> (i32, i32) {
    %c0_i32 = arith.constant 0 : i32
    %c0_i32_0 = arith.constant 0 : i32
    return %arg0, %c0_i32 : i32, i32
  }
  func.func @transform_8(%arg0: i32) -> (i32, i32) {
    %c0_i32 = arith.constant 0 : i32
    %c0_i32_0 = arith.constant 0 : i32
    %c0_i32_1 = arith.constant 0 : i32
    return %c0_i32, %c0_i32_0 : i32, i32
  }
}

module attributes {stable_mosaic.version = 14 : i64} {
  func.func @_update_body(%arg0: i32, %arg1: memref<1000x64xf32, #tpu.memory_space<vmem>>, %arg2: memref<1000x64xf32, #tpu.memory_space<vmem>>, %arg3: memref<1x64xf32, #tpu.memory_space<vmem>>, %arg4: memref<1x64xf32, #tpu.memory_space<vmem>>, %arg5: memref<64x128xf32, #tpu.memory_space<vmem>>, %arg6: memref<1000x64xf32, #tpu.memory_space<vmem>>, %arg7: memref<1000x128xf32, #tpu.memory_space<vmem>>) attributes {dimension_semantics = [#tpu.dimension_semantics<arbitrary>], iteration_bounds = array<i64: 10>, scalar_prefetch = 0 : i64, scratch_operands = 0 : i64, tpu.core_type = #tpu.core_type<tc>, window_params = [{transform_indices = @transform_0, window_bounds = array<i64: 1000, 64>}, {transform_indices = @transform_1, window_bounds = array<i64: 1000, 64>}, {pipeline_mode = #tpu.pipeline_mode<synchronous>, transform_indices = @transform_2, window_bounds = array<i64: 1, 64>}, {pipeline_mode = #tpu.pipeline_mode<synchronous>, transform_indices = @transform_3, window_bounds = array<i64: 1, 64>}, {pipeline_mode = #tpu.pipeline_mode<synchronous>, transform_indices = @transform_4, window_bounds = array<i64: 64, 128>}, {transform_indices = @transform_5, window_bounds = array<i64: 1000, 64>}, {transform_indices = @transform_6, window_bounds = array<i64: 1000, 128>}]} {
    %get3A = arith.constant 0 : index
    %get3A_0 = arith.constant 0 : index
    %get3A_1 = vector.load %arg1[%get3A, %get3A_0] : memref<1000x64xf32, #tpu.memory_space<vmem>>, vector<1000x64xf32>
    %get3A_2 = arith.constant 0 : index
    %get3A_3 = arith.constant 0 : index
    %get3A_4 = vector.load %arg2[%get3A_2, %get3A_3] : memref<1000x64xf32, #tpu.memory_space<vmem>>, vector<1000x64xf32>
    %get3A_5 = arith.constant 0 : index
    %get3A_6 = arith.constant 0 : index
    %get3A_7 = vector.load %arg3[%get3A_5, %get3A_6] : memref<1x64xf32, #tpu.memory_space<vmem>>, vector<1x64xf32>
    %mul3A = vector.broadcast %get3A_7 : vector<1x64xf32> to vector<1000x64xf32>
    %mul3A_8 = arith.mulf %get3A_4, %mul3A : vector<1000x64xf32>
    %add3A = arith.addf %get3A_1, %mul3A_8 : vector<1000x64xf32>
    %get3A_9 = arith.constant 0 : index
    %get3A_10 = arith.constant 0 : index
    %get3A_11 = vector.load %arg4[%get3A_9, %get3A_10] : memref<1x64xf32, #tpu.memory_space<vmem>>, vector<1x64xf32>
    %add3A_12 = vector.broadcast %get3A_11 : vector<1x64xf32> to vector<1000x64xf32>
    %add3A_13 = arith.addf %add3A, %add3A_12 : vector<1000x64xf32>
    %custom_jvp_call3A = arith.constant 0.000000e+00 : f32
    %max3A = vector.broadcast %custom_jvp_call3A : f32 to vector<1000x64xf32>
    %max3A_14 = arith.maximumf %add3A_13, %max3A : vector<1000x64xf32>
    %sub3A = vector.broadcast %custom_jvp_call3A : f32 to vector<1000x64xf32>
    %sub3A_15 = arith.subf %add3A_13, %sub3A : vector<1000x64xf32>
    %ne3A = arith.cmpf one, %sub3A_15, %sub3A_15 : vector<1000x64xf32>
    %add3A_16 = vector.broadcast %custom_jvp_call3A : f32 to vector<1000x64xf32>
    %add3A_17 = arith.addf %add3A_13, %add3A_16 : vector<1000x64xf32>
    %abs3A = math.absf %sub3A_15 : vector<1000x64xf32>
    %neg3A = arith.constant 0.000000e+00 : f32
    %neg3A_18 = vector.broadcast %neg3A : f32 to vector<1000x64xf32>
    %neg3A_19 = arith.subf %neg3A_18, %abs3A : vector<1000x64xf32>
    %exp3A = math.exp %neg3A_19 : vector<1000x64xf32>
    %log1p3A = math.log1p %exp3A : vector<1000x64xf32>
    %add3A_20 = arith.addf %max3A_14, %log1p3A : vector<1000x64xf32>
    %select_n3A = arith.select %ne3A, %add3A_17, %add3A_20 : vector<1000x64xi1>, vector<1000x64xf32>
    %swap3A = arith.constant 0 : index
    %swap3A_21 = arith.constant 0 : index
    %swap3A_22 = vector.load %arg6[%swap3A, %swap3A_21] : memref<1000x64xf32, #tpu.memory_space<vmem>>, vector<1000x64xf32>
    tpu.vector_store %arg6[%swap3A, %swap3A_21], %select_n3A {strides = array<i32>} : memref<1000x64xf32, #tpu.memory_space<vmem>>, vector<1000x64xf32>,
    %get3A_23 = arith.constant 0 : index
    %get3A_24 = arith.constant 0 : index
    %get3A_25 = vector.load %arg5[%get3A_23, %get3A_24] : memref<64x128xf32, #tpu.memory_space<vmem>>, vector<64x128xf32>
    %dot_general3A = arith.constant dense<0.000000e+00> : vector<1000x128xf32>
    %dot_general3A_26 = tpu.matmul %select_n3A, %get3A_25, %dot_general3A {dimension_numbers = #tpu.dot_dimension_numbers<[1], [0], [0], [1], [0, 0, 1, 1], [], []>, transpose_lhs_hint = false} : vector<1000x64xf32>, vector<64x128xf32>, vector<1000x128xf32> -> vector<1000x128xf32>
    %swap3A_27 = arith.constant 0 : index
    %swap3A_28 = arith.constant 0 : index
    %swap3A_29 = vector.load %arg7[%swap3A_27, %swap3A_28] : memref<1000x128xf32, #tpu.memory_space<vmem>>, vector<1000x128xf32>
    tpu.vector_store %arg7[%swap3A_27, %swap3A_28], %dot_general3A_26 {strides = array<i32>} : memref<1000x128xf32, #tpu.memory_space<vmem>>, vector<1000x128xf32>,
    return
  }
  func.func @transform_0(%arg0: i32) -> (i32, i32) {
    %c0_i32 = arith.constant 0 : i32
    %c0_i32_0 = arith.constant 0 : i32
    return %arg0, %c0_i32 : i32, i32
  }
  func.func @transform_1(%arg0: i32) -> (i32, i32) {
    %c0_i32 = arith.constant 0 : i32
    %c0_i32_0 = arith.constant 0 : i32
    return %arg0, %c0_i32 : i32, i32
  }
  func.func @transform_2(%arg0: i32) -> (i32, i32) {
    %c0_i32 = arith.constant 0 : i32
    %c0_i32_0 = arith.constant 0 : i32
    %c0_i32_1 = arith.constant 0 : i32
    return %c0_i32, %c0_i32_0 : i32, i32
  }
  func.func @transform_3(%arg0: i32) -> (i32, i32) {
    %c0_i32 = arith.constant 0 : i32
    %c0_i32_0 = arith.constant 0 : i32
    %c0_i32_1 = arith.constant 0 : i32
    return %c0_i32, %c0_i32_0 : i32, i32
  }
  func.func @transform_4(%arg0: i32) -> (i32, i32) {
    %c0_i32 = arith.constant 0 : i32
    %c0_i32_0 = arith.constant 0 : i32
    %c0_i32_1 = arith.constant 0 : i32
    return %c0_i32, %c0_i32_0 : i32, i32
  }
  func.func @transform_5(%arg0: i32) -> (i32, i32) {
    %c0_i32 = arith.constant 0 : i32
    %c0_i32_0 = arith.constant 0 : i32
    return %arg0, %c0_i32 : i32, i32
  }
  func.func @transform_6(%arg0: i32) -> (i32, i32) {
    %c0_i32 = arith.constant 0 : i32
    %c0_i32_0 = arith.constant 0 : i32
    return %arg0, %c0_i32 : i32, i32
  }
}

module attributes {stable_mosaic.version = 14 : i64} {
  func.func @_update_head_body(%arg0: i32, %arg1: memref<1000x64xf32, #tpu.memory_space<vmem>>, %arg2: memref<1000x64xf32, #tpu.memory_space<vmem>>, %arg3: memref<1x64xf32, #tpu.memory_space<vmem>>, %arg4: memref<1x64xf32, #tpu.memory_space<vmem>>, %arg5: memref<64x128xf32, #tpu.memory_space<vmem>>, %arg6: memref<1x128xf32, #tpu.memory_space<vmem>>, %arg7: memref<1000x128xf32, #tpu.memory_space<vmem>>) attributes {dimension_semantics = [#tpu.dimension_semantics<arbitrary>], iteration_bounds = array<i64: 10>, scalar_prefetch = 0 : i64, scratch_operands = 0 : i64, tpu.core_type = #tpu.core_type<tc>, window_params = [{transform_indices = @transform_0, window_bounds = array<i64: 1000, 64>}, {transform_indices = @transform_1, window_bounds = array<i64: 1000, 64>}, {pipeline_mode = #tpu.pipeline_mode<synchronous>, transform_indices = @transform_2, window_bounds = array<i64: 1, 64>}, {pipeline_mode = #tpu.pipeline_mode<synchronous>, transform_indices = @transform_3, window_bounds = array<i64: 1, 64>}, {pipeline_mode = #tpu.pipeline_mode<synchronous>, transform_indices = @transform_4, window_bounds = array<i64: 64, 128>}, {pipeline_mode = #tpu.pipeline_mode<synchronous>, transform_indices = @transform_5, window_bounds = array<i64: 1, 128>}, {transform_indices = @transform_6, window_bounds = array<i64: 1000, 128>}]} {
    %get3A = arith.constant 0 : index
    %get3A_0 = arith.constant 0 : index
    %get3A_1 = vector.load %arg1[%get3A, %get3A_0] : memref<1000x64xf32, #tpu.memory_space<vmem>>, vector<1000x64xf32>
    %get3A_2 = arith.constant 0 : index
    %get3A_3 = arith.constant 0 : index
    %get3A_4 = vector.load %arg2[%get3A_2, %get3A_3] : memref<1000x64xf32, #tpu.memory_space<vmem>>, vector<1000x64xf32>
    %get3A_5 = arith.constant 0 : index
    %get3A_6 = arith.constant 0 : index
    %get3A_7 = vector.load %arg3[%get3A_5, %get3A_6] : memref<1x64xf32, #tpu.memory_space<vmem>>, vector<1x64xf32>
    %mul3A = vector.broadcast %get3A_7 : vector<1x64xf32> to vector<1000x64xf32>
    %mul3A_8 = arith.mulf %get3A_4, %mul3A : vector<1000x64xf32>
    %add3A = arith.addf %get3A_1, %mul3A_8 : vector<1000x64xf32>
    %get3A_9 = arith.constant 0 : index
    %get3A_10 = arith.constant 0 : index
    %get3A_11 = vector.load %arg4[%get3A_9, %get3A_10] : memref<1x64xf32, #tpu.memory_space<vmem>>, vector<1x64xf32>
    %add3A_12 = vector.broadcast %get3A_11 : vector<1x64xf32> to vector<1000x64xf32>
    %add3A_13 = arith.addf %add3A, %add3A_12 : vector<1000x64xf32>
    %custom_jvp_call3A = arith.constant 0.000000e+00 : f32
    %max3A = vector.broadcast %custom_jvp_call3A : f32 to vector<1000x64xf32>
    %max3A_14 = arith.maximumf %add3A_13, %max3A : vector<1000x64xf32>
    %sub3A = vector.broadcast %custom_jvp_call3A : f32 to vector<1000x64xf32>
    %sub3A_15 = arith.subf %add3A_13, %sub3A : vector<1000x64xf32>
    %ne3A = arith.cmpf one, %sub3A_15, %sub3A_15 : vector<1000x64xf32>
    %add3A_16 = vector.broadcast %custom_jvp_call3A : f32 to vector<1000x64xf32>
    %add3A_17 = arith.addf %add3A_13, %add3A_16 : vector<1000x64xf32>
    %abs3A = math.absf %sub3A_15 : vector<1000x64xf32>
    %neg3A = arith.constant 0.000000e+00 : f32
    %neg3A_18 = vector.broadcast %neg3A : f32 to vector<1000x64xf32>
    %neg3A_19 = arith.subf %neg3A_18, %abs3A : vector<1000x64xf32>
    %exp3A = math.exp %neg3A_19 : vector<1000x64xf32>
    %log1p3A = math.log1p %exp3A : vector<1000x64xf32>
    %add3A_20 = arith.addf %max3A_14, %log1p3A : vector<1000x64xf32>
    %select_n3A = arith.select %ne3A, %add3A_17, %add3A_20 : vector<1000x64xi1>, vector<1000x64xf32>
    %get3A_21 = arith.constant 0 : index
    %get3A_22 = arith.constant 0 : index
    %get3A_23 = vector.load %arg5[%get3A_21, %get3A_22] : memref<64x128xf32, #tpu.memory_space<vmem>>, vector<64x128xf32>
    %dot_general3A = arith.constant dense<0.000000e+00> : vector<1000x128xf32>
    %dot_general3A_24 = tpu.matmul %select_n3A, %get3A_23, %dot_general3A {dimension_numbers = #tpu.dot_dimension_numbers<[1], [0], [0], [1], [0, 0, 1, 1], [], []>, transpose_lhs_hint = false} : vector<1000x64xf32>, vector<64x128xf32>, vector<1000x128xf32> -> vector<1000x128xf32>
    %get3A_25 = arith.constant 0 : index
    %get3A_26 = arith.constant 0 : index
    %get3A_27 = vector.load %arg6[%get3A_25, %get3A_26] : memref<1x128xf32, #tpu.memory_space<vmem>>, vector<1x128xf32>
    %add3A_28 = vector.broadcast %get3A_27 : vector<1x128xf32> to vector<1000x128xf32>
    %add3A_29 = arith.addf %dot_general3A_24, %add3A_28 : vector<1000x128xf32>
    %swap3A = arith.constant 0 : index
    %swap3A_30 = arith.constant 0 : index
    %swap3A_31 = vector.load %arg7[%swap3A, %swap3A_30] : memref<1000x128xf32, #tpu.memory_space<vmem>>, vector<1000x128xf32>
    tpu.vector_store %arg7[%swap3A, %swap3A_30], %add3A_29 {strides = array<i32>} : memref<1000x128xf32, #tpu.memory_space<vmem>>, vector<1000x128xf32>,
    return
  }
  func.func @transform_0(%arg0: i32) -> (i32, i32) {
    %c0_i32 = arith.constant 0 : i32
    %c0_i32_0 = arith.constant 0 : i32
    return %arg0, %c0_i32 : i32, i32
  }
  func.func @transform_1(%arg0: i32) -> (i32, i32) {
    %c0_i32 = arith.constant 0 : i32
    %c0_i32_0 = arith.constant 0 : i32
    return %arg0, %c0_i32 : i32, i32
  }
  func.func @transform_2(%arg0: i32) -> (i32, i32) {
    %c0_i32 = arith.constant 0 : i32
    %c0_i32_0 = arith.constant 0 : i32
    %c0_i32_1 = arith.constant 0 : i32
    return %c0_i32, %c0_i32_0 : i32, i32
  }
  func.func @transform_3(%arg0: i32) -> (i32, i32) {
    %c0_i32 = arith.constant 0 : i32
    %c0_i32_0 = arith.constant 0 : i32
    %c0_i32_1 = arith.constant 0 : i32
    return %c0_i32, %c0_i32_0 : i32, i32
  }
  func.func @transform_4(%arg0: i32) -> (i32, i32) {
    %c0_i32 = arith.constant 0 : i32
    %c0_i32_0 = arith.constant 0 : i32
    %c0_i32_1 = arith.constant 0 : i32
    return %c0_i32, %c0_i32_0 : i32, i32
  }
  func.func @transform_5(%arg0: i32) -> (i32, i32) {
    %c0_i32 = arith.constant 0 : i32
    %c0_i32_0 = arith.constant 0 : i32
    %c0_i32_1 = arith.constant 0 : i32
    return %c0_i32, %c0_i32_0 : i32, i32
  }
  func.func @transform_6(%arg0: i32) -> (i32, i32) {
    %c0_i32 = arith.constant 0 : i32
    %c0_i32_0 = arith.constant 0 : i32
    return %arg0, %c0_i32 : i32, i32
  }
}

</mosaic_0001>

<sc_bundles>
// kernel: kernel.15.cloned.1.call-start
scs
__scs_entry_jumppad:
0x0: {  	(pc) =	sbr.rel $0x88, $3  }
0x1: {  	(tag) =	ssettag $0x0;
	lr =	simm.s32 $0x1  }
0x2: {  	[smem:$0x3F88] =	sst lr;
	_ =	strace $0xD0000000  }
0x3: {  	_ = 	snop  }
0x4: {  	_ = 	snop  }
0x5: {  	_ = 	snop  }
0x6: {  	_ = 	snop  }
0x7: {  	_ = 	snop  }
__scs_overlays_trampoline_lowered:
0x8: {  	[smem:$0x3F97] =	sst s0  }
0x9: {  	[smem:$0x3F98] =	sst s1  }
0xa: {  	[smem:$0x3F99] =	sst s2  }
0xb: {  	[smem:$0x3F9A] =	sst s3  }
0xc: {  	[smem:$0x3F9B] =	sst s4  }
0xd: {  	[smem:$0x3F9C] =	sst s5  }
0xe: {  	[smem:$0x3F9D] =	sst s6  }
0xf: {  	[smem:$0x3F9E] =	sst s7  }
0x10: {  	[smem:$0x3F9F] =	sst s8  }
0x11: {  	[smem:$0x3FA0] =	sst s9;
	s0 =	simm.s32 @!p0 $0x0  }
0x12: {  	s1 =	sld [smem:$0x3F86];
	s0 =	simm.s32 @p0 $0x1  }
0x13: {  	[smem:$0x3FA1] =	sst s0;
	s0 =	simm.s32 @!p1 $0x0  }
0x14: {  	s2 =	sld [smem:$0x3F85];
	s0 =	simm.s32 @p1 $0x1  }
0x15: {  	[smem:$0x3FA2] =	sst s0;
	s0 =	simm.s32 @!p2 $0x0  }
0x16: {  	s3 =	sld [smem:$0x3FDB];
	s0 =	simm.s32 @p2 $0x1  }
0x17: {  	s4 =	simm.s32 $0x1BF5;
	[smem:$0x3FA4] =	sst s0  }
0x18: {  	s0 =	sld [smem:$0x3F87];
	_ =	swait.ge [sflag:s4], $0x0  }
0x19: {  	s7 =	sld [smem:$0x3F88]  }
0x1a: {  	s8 =	sadd.s32 $0xFFFFE003, lr  }
0x1b: {  	s9 =	sadd.s32 $0xFFFFFEF7, lr;
	s5 =	simm.s32 $0xFFFFFFFF;
	p2 =	slt.u32 s8, $0xFFFFF086  }
0x1c: {  	p1 =	slt.u32 s9, $0xF7A;
	s5 =	simm.s32 @!p2 $0x0  }
0x1d: {  	s5 =	simm.s32 @p1 $0x1;
	p0 =	seq.s32 s7, s2  }
0x1e: {  	s7 =	smul.u32 @!p0 $0xF7A, s2;
	p2 =	seq.s32 @!p0 s5, $0x0  }
0x1f: {  	s9 =	smul.u32 $0xF7A, s1;
	s8 =	simm.s32 @!p0 $0x1BF5;
	p2 =	por !p2, p0  }
0x20: {  	[sflag:s8] =	ssyncset.s32 @!p0 $0xFFFFF086;
	s6 =	sadd.s32 @!p0 s3, s7;
	s7 =	simm.s32 @!p0 $0x108  }
0x21: {  	s3 =	sadd.s32 s3, s9;
	s6 =	sadd.s32 @!p0 $0x88, s6;
	s7 =	simm.s32 @p2 $0x1082  }
0x22: {  	[simem:s7], [sflag:s8] =	dma.local @!p0 [hbm:s6], $0xF7A  }
0x23: {  	s9 =	sor.u32 $0xD0000000, s2;
	s6 =	simm.s32 $0x108;
	_ =	swait.ge @!p0 [sflag:s8], $0x0  }
0x24: {  	s3 =	sadd.s32 $0x88, s3;
	s6 =	simm.s32 @!p1 $0x1082;
	[sflag:s4] =	ssyncset.s32 $0xFFFFF086  }
0x25: {  	[simem:s6], [sflag:s4] =	dma.local [hbm:s3], $0xF7A  }
0x26: {  	[smem:$0x3F88] =	sst s1;
	(tag) =	ssettag s2;
	_ =	strace s9  }
0x27: {  	s1 =	sld [smem:$0x3F98]  }
0x28: {  	s2 =	sld [smem:$0x3F99]  }
0x29: {  	s4 =	sld [smem:$0x3F9B]  }
0x2a: {  	p0 =	seq.s32 s5, $0x0;
	s5 =	sld [smem:$0x3F9C]  }
0x2b: {  	s6 =	sld [smem:$0x3F9D]  }
0x2c: {  	s7 =	sld [smem:$0x3F9E]  }
0x2d: {  	s3 =	simm.s32 $0x108;
	s8 =	sld [smem:$0x3F9F]  }
0x2e: {  	s3 =	simm.s32 @!p0 $0x1082;
	s9 =	sld [smem:$0x3FA0]  }
0x2f: {  	lr =	sadd.s32 s0, s3;
	s0 =	sld [smem:$0x3F97]  }
0x30: {  	s3 =	sld [smem:$0x3F9A]  }
0x31: {  	[smem:$0x3FA3] =	sst s10  }
0x32: {  	s10 =	sld [smem:$0x3FA1];
	_ =	sdelay $0x3  }
0x33: {  	p0 =	seq.s32 s10, $0x1;
	s10 =	sld [smem:$0x3FA3];
	_ =	sdelay $0x3  }
0x34: {  	[smem:$0x3FA3] =	sst s10  }
0x35: {  	s10 =	sld [smem:$0x3FA2];
	_ =	sdelay $0x3  }
0x36: {  	p1 =	seq.s32 s10, $0x1;
	s10 =	sld [smem:$0x3FA3];
	_ =	sdelay $0x3  }
0x37: {  	[smem:$0x3FA3] =	sst s10  }
0x38: {  	s10 =	sld [smem:$0x3FA4]  }
0x39: {  	_ = 	snop;
	(pc) =	sbr.ind lr, $3  }
0x3a: {  	_ = 	snop  }
0x3b: {  	_ = 	snop  }
0x3c: {  	p2 =	seq.s32 s10, $0x1;
	s10 =	sld [smem:$0x3FA3]  }
0x3d: {  	_ =	shalt  }
0x3e: {  	_ =	shalt  }
0x3f: {  	_ =	shalt  }
0x40: {  	_ =	shalt  }
0x41: {  	_ =	shalt  }
0x42: {  	_ =	shalt  }
0x43: {  	_ =	shalt  }
0x44: {  	_ =	shalt  }
0x45: {  	_ =	shalt  }
0x46: {  	_ =	shalt  }
0x47: {  	_ =	shalt  }
0x48: {  	_ =	shalt  }
0x49: {  	_ =	shalt  }
0x4a: {  	_ =	shalt  }
0x4b: {  	_ =	shalt  }
0x4c: {  	_ =	shalt  }
0x4d: {  	_ =	shalt  }
0x4e: {  	_ =	shalt  }
0x4f: {  	_ =	shalt  }
0x50: {  	_ =	shalt  }
0x51: {  	_ =	shalt  }
0x52: {  	_ =	shalt  }
0x53: {  	_ =	shalt  }
0x54: {  	_ =	shalt  }
0x55: {  	_ =	shalt  }
0x56: {  	_ =	shalt  }
0x57: {  	_ =	shalt  }
0x58: {  	_ =	shalt  }
0x59: {  	_ =	shalt  }
0x5a: {  	_ =	shalt  }
0x5b: {  	_ =	shalt  }
0x5c: {  	_ =	shalt  }
0x5d: {  	_ =	shalt  }
0x5e: {  	_ =	shalt  }
0x5f: {  	_ =	shalt  }
0x60: {  	_ =	shalt  }
0x61: {  	_ =	shalt  }
0x62: {  	_ =	shalt  }
0x63: {  	_ =	shalt  }
0x64: {  	_ =	shalt  }
0x65: {  	_ =	shalt  }
0x66: {  	_ =	shalt  }
0x67: {  	_ =	shalt  }
0x68: {  	_ =	shalt  }
0x69: {  	_ =	shalt  }
0x6a: {  	_ =	shalt  }
0x6b: {  	_ =	shalt  }
0x6c: {  	_ =	shalt  }
0x6d: {  	_ =	shalt  }
0x6e: {  	_ =	shalt  }
0x6f: {  	_ =	shalt  }
0x70: {  	_ =	shalt  }
0x71: {  	_ =	shalt  }
0x72: {  	_ =	shalt  }
0x73: {  	_ =	shalt  }
0x74: {  	_ =	shalt  }
0x75: {  	_ =	shalt  }
0x76: {  	_ =	shalt  }
0x77: {  	_ =	shalt  }
0x78: {  	_ =	shalt  }
0x79: {  	_ =	shalt  }
0x7a: {  	_ =	shalt  }
0x7b: {  	_ =	shalt  }
0x7c: {  	_ =	shalt  }
0x7d: {  	_ =	shalt  }
0x7e: {  	_ =	shalt  }
0x7f: {  	_ =	shalt  }
0x80: {  	_ =	shalt  }
0x81: {  	_ =	shalt  }
0x82: {  	_ =	shalt  }
0x83: {  	_ =	shalt  }
0x84: {  	_ =	shalt  }
0x85: {  	_ =	shalt  }
0x86: {  	_ =	shalt  }
0x87: {  	_ =	shalt  }
.Lfunc_end0:
.L_simem_size_0:
called_computation_lowered:
.L_overlay_start_0:
0x88: {  	s2 =	sld [smem:$0x3FD9]  }
0x89: {  	s3 =	sld [smem:$0x3FFE];
	_ =	sdelay $0x1  }
0x8a: {  	s1 =	srdreg.scid  }
0x8b: {  	s0 =	sand.u32 $0x1, s1  }
0x8c: {  	s16 =	sshll.u32 s0, $0xA;
	s2 =	sadd.s32 s3, s2  }
0x8d: {  	s2 =	sadd.s32 s2, s16  }
0x8e: {  	[smem:$0x3FAF] =	sst s2  }
0x8f: {  	_ = 	snop  }
0x90: {  	(tm) =	ssettm $0x1  }
0x91: {  	s17 =	sld [smem:$0x3FFB];
	_ =	sdelay $0x3  }
0x92: {  	_ =	strace s17  }
0x93: {  	s2 =	sld [smem:$0x3FFC];
	_ =	sdelay $0x3  }
0x94: {  	_ =	strace s2  }
0x95: {  	s2 =	sld [smem:$0x3FFD];
	_ =	sdelay $0x3  }
0x96: {  	_ =	strace s2  }
0x97: {  	_ =	strace $0x8FFFFFFF  }
0x98: {  	s18 =	sld [smem:$0x3FDB];
	_ =	sdelay $0x1  }
0x99: {  	s19 =	simm.s32 $_scs_section_size  }
0x9a: {  	s4 =	simm.s32 $_size__tile_overlayer_lowered;
	s5 =	simm.s32 $_tile_overlayer_lowered  }
0x9b: {  	s22 =	simm.s32 $0x1BFF;
	s21 =	sshll.u32 s5, $0x1;
	s2 =	sadd.s32 s19, s18  }
0x9c: {  	s6 =	simm.s32 $0x0;
	s20 =	sshll.u32 s4, $0x1;
	s4 =	sadd.s32 s21, s2  }
0x9d: {  	[timem:s6], [sflag:s22] =	dma.local [hbm:s4], s20  }
0x9e: {  	_ =	swait.ge [sflag:s22], s20  }
0x9f: {  	s3 =	ssub.s32 $0x0, s20;
	[sflag:s22] =	ssyncset.done $0x0  }
0xa0: {  	[sflag:s22] =	ssyncadd.s32 s3;
	_ =	sdelay $0x1  }
0xa1: {  	s23 =	simm.s32 $0x1B8B  }
0xa2: {  	_ =	swait.ge [sflag:s23], $0x1  }
0xa3: {  	[sflag:s23] =	ssyncset.done $0x0  }
0xa4: {  	s25 =	simm.s32 $0x1B8E;
	s24 =	sld [smem:$0x3FFE];
	[sflag:s23] =	ssyncadd.s32 $0xFFFFFFFF  }
0xa5: {  	s26 =	simm.s32 $execute0_lowered;
	[smem:$0x3FD2] =	sst s25  }
0xa6: {  	s4 =	sshll.u32 s26, $0x1;
	_ =	strace $0x80000046;
	[dreg:$0x1] =	wrdreg $0xFFFFFFFF  }
0xa7: {  	s28 =	simm.s32 $_size_execute0_lowered;
	s2 =	sadd.s32 s2, s4;
	[dreg:$0x0] =	wrdreg $0x0  }
0xa8: {  	s4 =	sshll.u32 s28, $0x1;
	[dreg:$0x2] =	wrdreg s2  }
0xa9: {  	[dreg:$0x3] =	wrdreg s4  }
0xaa: {  	[dreg:$0x4] =	wrdreg $0xC0  }
0xab: {  	_ =	task [dreg:s6], $0x5FFFF  }
0xac: {  	[dreg:$0x1] =	wrdreg $0xFFFFFFFF  }
0xad: {  	[dreg:$0x0] =	wrdreg $0x60  }
0xae: {  	[dreg:$0x2] =	wrdreg s24  }
0xaf: {  	[dreg:$0x3] =	wrdreg $0x9  }
0xb0: {  	_ =	task.clear_ibuf [dreg:s6], $0x4FFFF;
	_ =	strace $0x90000046  }
0xb1: {  	s29 =	simm.s32 $0x9;
	_ =	strace $0x80000048  }
0xb2: {  	_ =	swait.ge [sflag:s29], $0x1  }
0xb3: {  	[sflag:s29] =	ssyncadd.s32 $0xFFFFFFFF  }
0xb4: {  	_ =	strace $0x90000048  }
0xb5: {  	_ =	sfence  }
0xb6: {  	s30 =	sld [smem:$0x0];
	_ =	sdelay $0x2  }
0xb7: {  	s31 =	sshll.u32 s1, $0xD;
	s1 =	sshrl.u32 s1, $0x2  }
0xb8: {  	s3 =	sand.u32 $0x4000, s31;
	s1 =	sadd.s32 s1, s30  }
0xb9: {  	s0 =	sor.u32 s3, s0;
	s1 =	sshll.u32 s1, $0x11  }
0xba: {  	s0 =	sor.u32 s1, s0  }
0xbb: {  	s0 =	sadd.s32 $0x8F2B, s0  }
0xbc: {  	[sflag:s0] =	ssyncadd.remote.s32 $0x1  }
0xbd: {  	_ =	sfence.sel $0xFFFF  }
0xbe: {  	[dreg:$0x0] =	wrdreg $0xFFFFFFFF;
	(pc) =	sbr.abs _section_cstart, $3  }
0xbf: {  	[dreg:$0x1] =	wrdreg $0xFFFFFFFF  }
0xc0: {  	_ =	task.clear_ibuf [dreg:s6], $0x2FFFF;
	_ =	strace $0x9FFFFFFF  }
0xc1: {  	(tm) =	ssettm $0x7FFFFFFF  }
tec
execute0_lowered:
.L_overlay_start_1:
0x0: {  	(tag) =	ssettag $0x1  }
0x1: {  	s4 =	rddreg [dreg:$0x0]  }
0x2: {  	s0 =	rddreg [dreg:$0x1]  }
0x3: {  	s3 =	srdreg.scid;
	s1 =	stileid.u32;
	s2 =	simm.s32 $0x0  }
0x4: {  	s10 =	simm.s32 $0x1;
	s11 =	simm.s32 $0x0;
	s6 =	smul.u32 $0x4E20, s1  }
0x5: {  	s5 =	sand.u32 $0x1, s3;
	[smem:$0x7FF] =	sst s2;
	s8 =	smul.u32 $0x4E200, s1  }
0x6: {  	s3 =	sadd.s32 $0x12200, s4;
	s7 =	smul.u32 $0x2710, s5;
	s9 =	ssub.s32 $0x2, s5  }
0x7: {  	_ =	strace $0x80000047;
	s5 =	smul.u32 $0x27100, s5;
	s31 =	sshrl.u32 s9, $0x1  }
0x8: {  	s30 =	sadd.s32 s8, s4;
	s6 =	sadd.s32 s7, s6;
	s8 =	ssub.s32 s9, s31  }
0x9: {  	s5 =	sadd.s32 s5, s30;
	s7 =	simm.s32 $0x2;
	s6 =	sshrl.u32 s6, $0x3  }
0xa: {  	s9 =	simm.s32 $0x400;
	s5 =	sadd.s32 $0x39400, s5;
	s6 =	sadd.s32 s6, s4  }
0xb: {  	s4 =	smax.u32 s8, $0x1;
	s8 =	simm.s32 $0x3E8;
	s6 =	sadd.s32 $0x8400, s6  }
.LBB2_1:
0xc: {  	s12 =	sadd.s32 $0x0, s6  }
0xd: {  	[tilespmem:s2], [sflag:$0x2] =	stream.linear.gather [hbm4b:s12+s2], $0x3E8, $0x38;
	[tilespmem:$0x1F800] =	vst v63  }
0xe: {  	_ =	swait.ge [sflag:s7], $0x3E8  }
0xf: {  	[sflag:s7] =	ssyncset.done $0x0  }
0x10: {  	[sflag:s7] =	ssyncadd.s32 $0xFFFFFC18  }
0x11: {  	[tilespmem:s9], [sflag:$0x1] =	stream.indirect.gather [hbm4b:s3+s8], $0x80, s2, s8, $0xb8;
	[tilespmem:$0x1F800] =	vst v63  }
0x12: {  	_ =	swait.ge [sflag:s10], $0x1F400  }
0x13: {  	[sflag:s10] =	ssyncset.done $0x0  }
0x14: {  	[sflag:s10] =	ssyncadd.s32 $0xFFFE0C00  }
0x15: {  	[hbm4b:s5+s2] =	stream.linear.scatter [tilespmem:s9], [sflag:$0x2], $0x1F400, $0x38;
	[tilespmem:$0x1F800] =	vst v63  }
0x16: {  	s13 =	simm.s32 $0x7D;
	_ =	swait.ge [sflag:s7], $0x1F400  }
0x17: {  	s14 =	simm.s32 $0xFA;
	s12 =	sadd.s32 $0x3E80, s5;
	[sflag:s7] =	ssyncset.done $0x0  }
.LBB2_2:
0x18: {  	s15 =	sadd.s32 s13, s6  }
0x19: {  	[sflag:s7] =	ssyncadd.s32 $0xFFFE0C00;
	s13 =	smov.u32 s14;
	s16 =	sadd.s32 $0x7D, s14  }
0x1a: {  	[tilespmem:s2], [sflag:$0x2] =	stream.linear.gather [hbm4b:s15+s2], $0x3E8, $0x38;
	[tilespmem:$0x1F800] =	vst v63  }
0x1b: {  	p0 =	sne.s32 s14, $0x465;
	_ =	swait.ge [sflag:s7], $0x3E8  }
0x1c: {  	[sflag:s7] =	ssyncset.done $0x0  }
0x1d: {  	[sflag:s7] =	ssyncadd.s32 $0xFFFFFC18  }
0x1e: {  	[tilespmem:s9], [sflag:$0x1] =	stream.indirect.gather [hbm4b:s3+s8], $0x80, s2, s8, $0xb8;
	[tilespmem:$0x1F800] =	vst v63  }
0x1f: {  	_ =	swait.ge [sflag:s10], $0x1F400  }
.Ltmp0:
0x20: {  	[sflag:s10] =	ssyncset.done $0x0;
	(pc) =	sbr.rel @p0 .LBB2_2-.Ltmp0, $4  }
0x21: {  	[sflag:s10] =	ssyncadd.s32 $0xFFFE0C00  }
0x22: {  	[hbm4b:s12+s2] =	stream.linear.scatter [tilespmem:s9], [sflag:$0x2], $0x1F400, $0x38;
	[tilespmem:$0x1F800] =	vst v63  }
0x23: {  	_ =	swait.ge [sflag:s7], $0x1F400  }
0x24: {  	s14 =	smov.u32 s16;
	s12 =	sadd.s32 $0x3E80, s12;
	[sflag:s7] =	ssyncset.done $0x0  }
0x25: {  	s13 =	sadd.s32 s13, s6;
	[sflag:s7] =	ssyncadd.s32 $0xFFFE0C00  }
0x26: {  	[tilespmem:s2], [sflag:$0x2] =	stream.linear.gather [hbm4b:s13+s2], $0x3E8, $0x38;
	[tilespmem:$0x1F800] =	vst v63  }
0x27: {  	_ =	swait.ge [sflag:s7], $0x3E8  }
0x28: {  	[sflag:s7] =	ssyncset.done $0x0  }
0x29: {  	[sflag:s7] =	ssyncadd.s32 $0xFFFFFC18  }
0x2a: {  	[tilespmem:s9], [sflag:$0x1] =	stream.indirect.gather [hbm4b:s3+s8], $0x80, s2, s8, $0xb8;
	[tilespmem:$0x1F800] =	vst v63  }
0x2b: {  	s11 =	sadd.s32 $0x1, s11;
	_ =	swait.ge [sflag:s10], $0x1F400  }
0x2c: {  	p0 =	sne.s32 s11, s4;
	[sflag:s10] =	ssyncset.done $0x0  }
.Ltmp1:
0x2d: {  	[sflag:s10] =	ssyncadd.s32 $0xFFFE0C00;
	(pc) =	sbr.rel @p0 .LBB2_1-.Ltmp1, $4  }
0x2e: {  	[hbm4b:s12+s2] =	stream.linear.scatter [tilespmem:s9], [sflag:$0x2], $0x1F400, $0x38;
	[tilespmem:$0x1F800] =	vst v63  }
0x2f: {  	_ =	swait.ge [sflag:s7], $0x1F400  }
0x30: {  	[sflag:s7] =	ssyncset.done $0x0  }
0x31: {  	[sflag:s7] =	ssyncadd.s32 $0xFFFE0C00  }
0x32: {  	_ =	sfence.sel $0x180000  }
0x33: {  	[bflag:$0x0] =	sbarrier.arrive $0xFFFF  }
0x34: {  	p0 =	sne.s32 s1, $0x0;
	_ =	strace $0x90000047  }
0x35: {  	s0 =	sadd.s32 @!p0 $0x100000, s0;
	[bflag:$0x2] =	sbarrier.arrive $0xFFFF  }
0x36: {  	[sflag:s0] =	ssyncadd.tile.s32 @!p0 $0x1;
	_ =	shalt  }
.Lfunc_end2:
_tile_overlayer_lowered:
.L_overlay_start_2:
0x37: {  	(tag) =	ssettag $0x2  }
0x38: {  	s0 =	rddreg [dreg:$0x0];
	s2 =	stileid.u32  }
0x39: {  	s1 =	rddreg [dreg:$0x1];
	p0 =	sne.s32 s2, $0x0  }
0x3a: {  	s3 =	rddreg [dreg:$0x2];
	[bflag:$0x3] =	sbarrier.arrive $0xFFFF;
	s2 =	simm.s32 @!p0 $0x1C02  }
0x3b: {  	[timem:s3], [sflag:s2] =	dma.local @!p0 [hbm:s0], s1  }
0x3c: {  	s0 =	simm.s32 @!p0 $0x2  }
0x3d: {  	_ =	swait.ge @!p0 [sflag:s0], s1  }
0x3e: {  	s1 =	ssub.s32 @!p0 $0x0, s1;
	[sflag:s0] =	ssyncset.done @!p0 $0x0  }
0x3f: {  	[sflag:s0] =	ssyncadd.s32 @!p0 s1  }
0x40: {  	[bflag:$0x3] =	sbarrier.arrive $0xFFFF  }
0x41: {  	_ =	shalt  }

// kernel: kernel.18.cloned.1.call-start
scs
__scs_entry_jumppad:
0x0: {  	(pc) =	sbr.rel $0x88, $3  }
0x1: {  	(tag) =	ssettag $0x0;
	lr =	simm.s32 $0x1  }
0x2: {  	[smem:$0x3F88] =	sst lr;
	_ =	strace $0xD0000000  }
0x3: {  	_ = 	snop  }
0x4: {  	_ = 	snop  }
0x5: {  	_ = 	snop  }
0x6: {  	_ = 	snop  }
0x7: {  	_ = 	snop  }
__scs_overlays_trampoline_lowered:
0x8: {  	[smem:$0x3F97] =	sst s0  }
0x9: {  	[smem:$0x3F98] =	sst s1  }
0xa: {  	[smem:$0x3F99] =	sst s2  }
0xb: {  	[smem:$0x3F9A] =	sst s3  }
0xc: {  	[smem:$0x3F9B] =	sst s4  }
0xd: {  	[smem:$0x3F9C] =	sst s5  }
0xe: {  	[smem:$0x3F9D] =	sst s6  }
0xf: {  	[smem:$0x3F9E] =	sst s7  }
0x10: {  	[smem:$0x3F9F] =	sst s8  }
0x11: {  	[smem:$0x3FA0] =	sst s9;
	s0 =	simm.s32 @!p0 $0x0  }
0x12: {  	s1 =	sld [smem:$0x3F86];
	s0 =	simm.s32 @p0 $0x1  }
0x13: {  	[smem:$0x3FA1] =	sst s0;
	s0 =	simm.s32 @!p1 $0x0  }
0x14: {  	s2 =	sld [smem:$0x3F85];
	s0 =	simm.s32 @p1 $0x1  }
0x15: {  	[smem:$0x3FA2] =	sst s0;
	s0 =	simm.s32 @!p2 $0x0  }
0x16: {  	s3 =	sld [smem:$0x3FDB];
	s0 =	simm.s32 @p2 $0x1  }
0x17: {  	s4 =	simm.s32 $0x1BF5;
	[smem:$0x3FA4] =	sst s0  }
0x18: {  	s0 =	sld [smem:$0x3F87];
	_ =	swait.ge [sflag:s4], $0x0  }
0x19: {  	s7 =	sld [smem:$0x3F88]  }
0x1a: {  	s8 =	sadd.s32 $0xFFFFE003, lr  }
0x1b: {  	s9 =	sadd.s32 $0xFFFFFEF7, lr;
	s5 =	simm.s32 $0xFFFFFFFF;
	p2 =	slt.u32 s8, $0xFFFFF086  }
0x1c: {  	p1 =	slt.u32 s9, $0xF7A;
	s5 =	simm.s32 @!p2 $0x0  }
0x1d: {  	s5 =	simm.s32 @p1 $0x1;
	p0 =	seq.s32 s7, s2  }
0x1e: {  	s7 =	smul.u32 @!p0 $0xF7A, s2;
	p2 =	seq.s32 @!p0 s5, $0x0  }
0x1f: {  	s9 =	smul.u32 $0xF7A, s1;
	s8 =	simm.s32 @!p0 $0x1BF5;
	p2 =	por !p2, p0  }
0x20: {  	[sflag:s8] =	ssyncset.s32 @!p0 $0xFFFFF086;
	s6 =	sadd.s32 @!p0 s3, s7;
	s7 =	simm.s32 @!p0 $0x108  }
0x21: {  	s3 =	sadd.s32 s3, s9;
	s6 =	sadd.s32 @!p0 $0x88, s6;
	s7 =	simm.s32 @p2 $0x1082  }
0x22: {  	[simem:s7], [sflag:s8] =	dma.local @!p0 [hbm:s6], $0xF7A  }
0x23: {  	s9 =	sor.u32 $0xD0000000, s2;
	s6 =	simm.s32 $0x108;
	_ =	swait.ge @!p0 [sflag:s8], $0x0  }
0x24: {  	s3 =	sadd.s32 $0x88, s3;
	s6 =	simm.s32 @!p1 $0x1082;
	[sflag:s4] =	ssyncset.s32 $0xFFFFF086  }
0x25: {  	[simem:s6], [sflag:s4] =	dma.local [hbm:s3], $0xF7A  }
0x26: {  	[smem:$0x3F88] =	sst s1;
	(tag) =	ssettag s2;
	_ =	strace s9  }
0x27: {  	s1 =	sld [smem:$0x3F98]  }
0x28: {  	s2 =	sld [smem:$0x3F99]  }
0x29: {  	s4 =	sld [smem:$0x3F9B]  }
0x2a: {  	p0 =	seq.s32 s5, $0x0;
	s5 =	sld [smem:$0x3F9C]  }
0x2b: {  	s6 =	sld [smem:$0x3F9D]  }
0x2c: {  	s7 =	sld [smem:$0x3F9E]  }
0x2d: {  	s3 =	simm.s32 $0x108;
	s8 =	sld [smem:$0x3F9F]  }
0x2e: {  	s3 =	simm.s32 @!p0 $0x1082;
	s9 =	sld [smem:$0x3FA0]  }
0x2f: {  	lr =	sadd.s32 s0, s3;
	s0 =	sld [smem:$0x3F97]  }
0x30: {  	s3 =	sld [smem:$0x3F9A]  }
0x31: {  	[smem:$0x3FA3] =	sst s10  }
0x32: {  	s10 =	sld [smem:$0x3FA1];
	_ =	sdelay $0x3  }
0x33: {  	p0 =	seq.s32 s10, $0x1;
	s10 =	sld [smem:$0x3FA3];
	_ =	sdelay $0x3  }
0x34: {  	[smem:$0x3FA3] =	sst s10  }
0x35: {  	s10 =	sld [smem:$0x3FA2];
	_ =	sdelay $0x3  }
0x36: {  	p1 =	seq.s32 s10, $0x1;
	s10 =	sld [smem:$0x3FA3];
	_ =	sdelay $0x3  }
0x37: {  	[smem:$0x3FA3] =	sst s10  }
0x38: {  	s10 =	sld [smem:$0x3FA4]  }
0x39: {  	_ = 	snop;
	(pc) =	sbr.ind lr, $3  }
0x3a: {  	_ = 	snop  }
0x3b: {  	_ = 	snop  }
0x3c: {  	p2 =	seq.s32 s10, $0x1;
	s10 =	sld [smem:$0x3FA3]  }
0x3d: {  	_ =	shalt  }
0x3e: {  	_ =	shalt  }
0x3f: {  	_ =	shalt  }
0x40: {  	_ =	shalt  }
0x41: {  	_ =	shalt  }
0x42: {  	_ =	shalt  }
0x43: {  	_ =	shalt  }
0x44: {  	_ =	shalt  }
0x45: {  	_ =	shalt  }
0x46: {  	_ =	shalt  }
0x47: {  	_ =	shalt  }
0x48: {  	_ =	shalt  }
0x49: {  	_ =	shalt  }
0x4a: {  	_ =	shalt  }
0x4b: {  	_ =	shalt  }
0x4c: {  	_ =	shalt  }
0x4d: {  	_ =	shalt  }
0x4e: {  	_ =	shalt  }
0x4f: {  	_ =	shalt  }
0x50: {  	_ =	shalt  }
0x51: {  	_ =	shalt  }
0x52: {  	_ =	shalt  }
0x53: {  	_ =	shalt  }
0x54: {  	_ =	shalt  }
0x55: {  	_ =	shalt  }
0x56: {  	_ =	shalt  }
0x57: {  	_ =	shalt  }
0x58: {  	_ =	shalt  }
0x59: {  	_ =	shalt  }
0x5a: {  	_ =	shalt  }
0x5b: {  	_ =	shalt  }
0x5c: {  	_ =	shalt  }
0x5d: {  	_ =	shalt  }
0x5e: {  	_ =	shalt  }
0x5f: {  	_ =	shalt  }
0x60: {  	_ =	shalt  }
0x61: {  	_ =	shalt  }
0x62: {  	_ =	shalt  }
0x63: {  	_ =	shalt  }
0x64: {  	_ =	shalt  }
0x65: {  	_ =	shalt  }
0x66: {  	_ =	shalt  }
0x67: {  	_ =	shalt  }
0x68: {  	_ =	shalt  }
0x69: {  	_ =	shalt  }
0x6a: {  	_ =	shalt  }
0x6b: {  	_ =	shalt  }
0x6c: {  	_ =	shalt  }
0x6d: {  	_ =	shalt  }
0x6e: {  	_ =	shalt  }
0x6f: {  	_ =	shalt  }
0x70: {  	_ =	shalt  }
0x71: {  	_ =	shalt  }
0x72: {  	_ =	shalt  }
0x73: {  	_ =	shalt  }
0x74: {  	_ =	shalt  }
0x75: {  	_ =	shalt  }
0x76: {  	_ =	shalt  }
0x77: {  	_ =	shalt  }
0x78: {  	_ =	shalt  }
0x79: {  	_ =	shalt  }
0x7a: {  	_ =	shalt  }
0x7b: {  	_ =	shalt  }
0x7c: {  	_ =	shalt  }
0x7d: {  	_ =	shalt  }
0x7e: {  	_ =	shalt  }
0x7f: {  	_ =	shalt  }
0x80: {  	_ =	shalt  }
0x81: {  	_ =	shalt  }
0x82: {  	_ =	shalt  }
0x83: {  	_ =	shalt  }
0x84: {  	_ =	shalt  }
0x85: {  	_ =	shalt  }
0x86: {  	_ =	shalt  }
0x87: {  	_ =	shalt  }
.Lfunc_end0:
.L_simem_size_0:
called_computation.1_lowered:
.L_overlay_start_0:
0x88: {  	s2 =	sld [smem:$0x3FD9]  }
0x89: {  	s3 =	sld [smem:$0x3FFE];
	_ =	sdelay $0x1  }
0x8a: {  	s1 =	srdreg.scid  }
0x8b: {  	s0 =	sand.u32 $0x1, s1  }
0x8c: {  	s16 =	sshll.u32 s0, $0xA;
	s2 =	sadd.s32 s3, s2  }
0x8d: {  	s2 =	sadd.s32 s2, s16  }
0x8e: {  	[smem:$0x3FAF] =	sst s2  }
0x8f: {  	_ = 	snop  }
0x90: {  	(tm) =	ssettm $0x1  }
0x91: {  	s17 =	sld [smem:$0x3FFB];
	_ =	sdelay $0x3  }
0x92: {  	_ =	strace s17  }
0x93: {  	s2 =	sld [smem:$0x3FFC];
	_ =	sdelay $0x3  }
0x94: {  	_ =	strace s2  }
0x95: {  	s2 =	sld [smem:$0x3FFD];
	_ =	sdelay $0x3  }
0x96: {  	_ =	strace s2  }
0x97: {  	_ =	strace $0x8FFFFFFF  }
0x98: {  	s18 =	sld [smem:$0x3FDB];
	_ =	sdelay $0x1  }
0x99: {  	s19 =	simm.s32 $_scs_section_size  }
0x9a: {  	s4 =	simm.s32 $_size__tile_overlayer_lowered;
	s5 =	simm.s32 $_tile_overlayer_lowered  }
0x9b: {  	s22 =	simm.s32 $0x1BFF;
	s21 =	sshll.u32 s5, $0x1;
	s2 =	sadd.s32 s19, s18  }
0x9c: {  	s6 =	simm.s32 $0x0;
	s20 =	sshll.u32 s4, $0x1;
	s4 =	sadd.s32 s21, s2  }
0x9d: {  	[timem:s6], [sflag:s22] =	dma.local [hbm:s4], s20  }
0x9e: {  	_ =	swait.ge [sflag:s22], s20  }
0x9f: {  	s3 =	ssub.s32 $0x0, s20;
	[sflag:s22] =	ssyncset.done $0x0  }
0xa0: {  	[sflag:s22] =	ssyncadd.s32 s3;
	_ =	sdelay $0x1  }
0xa1: {  	s23 =	simm.s32 $0x1B8B  }
0xa2: {  	_ =	swait.ge [sflag:s23], $0x1  }
0xa3: {  	[sflag:s23] =	ssyncset.done $0x0  }
0xa4: {  	s25 =	simm.s32 $0x1B8E;
	s24 =	sld [smem:$0x3FFE];
	[sflag:s23] =	ssyncadd.s32 $0xFFFFFFFF  }
0xa5: {  	s26 =	simm.s32 $execute0_lowered;
	[smem:$0x3FD2] =	sst s25  }
0xa6: {  	s4 =	sshll.u32 s26, $0x1;
	_ =	strace $0x80000049;
	[dreg:$0x1] =	wrdreg $0xFFFFFFFF  }
0xa7: {  	s28 =	simm.s32 $_size_execute0_lowered;
	s2 =	sadd.s32 s2, s4;
	[dreg:$0x0] =	wrdreg $0x0  }
0xa8: {  	s4 =	sshll.u32 s28, $0x1;
	[dreg:$0x2] =	wrdreg s2  }
0xa9: {  	[dreg:$0x3] =	wrdreg s4  }
0xaa: {  	[dreg:$0x4] =	wrdreg $0xC0  }
0xab: {  	_ =	task [dreg:s6], $0x5FFFF  }
0xac: {  	[dreg:$0x1] =	wrdreg $0xFFFFFFFF  }
0xad: {  	[dreg:$0x0] =	wrdreg $0x60  }
0xae: {  	[dreg:$0x2] =	wrdreg s24  }
0xaf: {  	[dreg:$0x3] =	wrdreg $0x9  }
0xb0: {  	_ =	task.clear_ibuf [dreg:s6], $0x4FFFF;
	_ =	strace $0x90000049  }
0xb1: {  	s29 =	simm.s32 $0x9;
	_ =	strace $0x8000004B  }
0xb2: {  	_ =	swait.ge [sflag:s29], $0x1  }
0xb3: {  	[sflag:s29] =	ssyncadd.s32 $0xFFFFFFFF  }
0xb4: {  	_ =	strace $0x9000004B  }
0xb5: {  	_ =	sfence  }
0xb6: {  	s30 =	sld [smem:$0x0];
	_ =	sdelay $0x2  }
0xb7: {  	s31 =	sshll.u32 s1, $0xD;
	s1 =	sshrl.u32 s1, $0x2  }
0xb8: {  	s3 =	sand.u32 $0x4000, s31;
	s1 =	sadd.s32 s1, s30  }
0xb9: {  	s0 =	sor.u32 s3, s0;
	s1 =	sshll.u32 s1, $0x11  }
0xba: {  	s0 =	sor.u32 s1, s0  }
0xbb: {  	s0 =	sadd.s32 $0x8F2B, s0  }
0xbc: {  	[sflag:s0] =	ssyncadd.remote.s32 $0x1  }
0xbd: {  	_ =	sfence.sel $0xFFFF  }
0xbe: {  	[dreg:$0x0] =	wrdreg $0xFFFFFFFF;
	(pc) =	sbr.abs _section_cstart, $3  }
0xbf: {  	[dreg:$0x1] =	wrdreg $0xFFFFFFFF  }
0xc0: {  	_ =	task.clear_ibuf [dreg:s6], $0x2FFFF;
	_ =	strace $0x9FFFFFFF  }
0xc1: {  	(tm) =	ssettm $0x7FFFFFFF  }
tec
execute0_lowered:
.L_overlay_start_1:
0x0: {  	(tag) =	ssettag $0x1  }
0x1: {  	s4 =	rddreg [dreg:$0x0]  }
0x2: {  	s0 =	rddreg [dreg:$0x1]  }
0x3: {  	s3 =	srdreg.scid;
	s1 =	stileid.u32;
	s2 =	simm.s32 $0x0  }
0x4: {  	s10 =	simm.s32 $0x1;
	s11 =	simm.s32 $0x0;
	s6 =	smul.u32 $0x4E20, s1  }
0x5: {  	s5 =	sand.u32 $0x1, s3;
	[smem:$0x7FF] =	sst s2;
	s8 =	smul.u32 $0x4E200, s1  }
0x6: {  	s3 =	sadd.s32 $0x12200, s4;
	s7 =	smul.u32 $0x2710, s5;
	s9 =	ssub.s32 $0x2, s5  }
0x7: {  	_ =	strace $0x8000004A;
	s5 =	smul.u32 $0x27100, s5;
	s31 =	sshrl.u32 s9, $0x1  }
0x8: {  	s30 =	sadd.s32 s8, s4;
	s6 =	sadd.s32 s7, s6;
	s8 =	ssub.s32 s9, s31  }
0x9: {  	s5 =	sadd.s32 s5, s30;
	s7 =	simm.s32 $0x2;
	s6 =	sshrl.u32 s6, $0x3  }
0xa: {  	s9 =	simm.s32 $0x400;
	s5 =	sadd.s32 $0x39400, s5;
	s6 =	sadd.s32 s6, s4  }
0xb: {  	s4 =	smax.u32 s8, $0x1;
	s8 =	simm.s32 $0x3E8;
	s6 =	sadd.s32 $0x8400, s6  }
.LBB2_1:
0xc: {  	s12 =	sadd.s32 $0x0, s6  }
0xd: {  	[tilespmem:s2], [sflag:$0x2] =	stream.linear.gather [hbm4b:s12+s2], $0x3E8, $0x38;
	[tilespmem:$0x1F800] =	vst v63  }
0xe: {  	_ =	swait.ge [sflag:s7], $0x3E8  }
0xf: {  	[sflag:s7] =	ssyncset.done $0x0  }
0x10: {  	[sflag:s7] =	ssyncadd.s32 $0xFFFFFC18  }
0x11: {  	[tilespmem:s9], [sflag:$0x1] =	stream.indirect.gather [hbm4b:s3+s8], $0x80, s2, s8, $0xb8;
	[tilespmem:$0x1F800] =	vst v63  }
0x12: {  	_ =	swait.ge [sflag:s10], $0x1F400  }
0x13: {  	[sflag:s10] =	ssyncset.done $0x0  }
0x14: {  	[sflag:s10] =	ssyncadd.s32 $0xFFFE0C00  }
0x15: {  	[hbm4b:s5+s2] =	stream.linear.scatter [tilespmem:s9], [sflag:$0x2], $0x1F400, $0x38;
	[tilespmem:$0x1F800] =	vst v63  }
0x16: {  	s13 =	simm.s32 $0x7D;
	_ =	swait.ge [sflag:s7], $0x1F400  }
0x17: {  	s14 =	simm.s32 $0xFA;
	s12 =	sadd.s32 $0x3E80, s5;
	[sflag:s7] =	ssyncset.done $0x0  }
.LBB2_2:
0x18: {  	s15 =	sadd.s32 s13, s6  }
0x19: {  	[sflag:s7] =	ssyncadd.s32 $0xFFFE0C00;
	s13 =	smov.u32 s14;
	s16 =	sadd.s32 $0x7D, s14  }
0x1a: {  	[tilespmem:s2], [sflag:$0x2] =	stream.linear.gather [hbm4b:s15+s2], $0x3E8, $0x38;
	[tilespmem:$0x1F800] =	vst v63  }
0x1b: {  	p0 =	sne.s32 s14, $0x465;
	_ =	swait.ge [sflag:s7], $0x3E8  }
0x1c: {  	[sflag:s7] =	ssyncset.done $0x0  }
0x1d: {  	[sflag:s7] =	ssyncadd.s32 $0xFFFFFC18  }
0x1e: {  	[tilespmem:s9], [sflag:$0x1] =	stream.indirect.gather [hbm4b:s3+s8], $0x80, s2, s8, $0xb8;
	[tilespmem:$0x1F800] =	vst v63  }
0x1f: {  	_ =	swait.ge [sflag:s10], $0x1F400  }
.Ltmp0:
0x20: {  	[sflag:s10] =	ssyncset.done $0x0;
	(pc) =	sbr.rel @p0 .LBB2_2-.Ltmp0, $4  }
0x21: {  	[sflag:s10] =	ssyncadd.s32 $0xFFFE0C00  }
0x22: {  	[hbm4b:s12+s2] =	stream.linear.scatter [tilespmem:s9], [sflag:$0x2], $0x1F400, $0x38;
	[tilespmem:$0x1F800] =	vst v63  }
0x23: {  	_ =	swait.ge [sflag:s7], $0x1F400  }
0x24: {  	s14 =	smov.u32 s16;
	s12 =	sadd.s32 $0x3E80, s12;
	[sflag:s7] =	ssyncset.done $0x0  }
0x25: {  	s13 =	sadd.s32 s13, s6;
	[sflag:s7] =	ssyncadd.s32 $0xFFFE0C00  }
0x26: {  	[tilespmem:s2], [sflag:$0x2] =	stream.linear.gather [hbm4b:s13+s2], $0x3E8, $0x38;
	[tilespmem:$0x1F800] =	vst v63  }
0x27: {  	_ =	swait.ge [sflag:s7], $0x3E8  }
0x28: {  	[sflag:s7] =	ssyncset.done $0x0  }
0x29: {  	[sflag:s7] =	ssyncadd.s32 $0xFFFFFC18  }
0x2a: {  	[tilespmem:s9], [sflag:$0x1] =	stream.indirect.gather [hbm4b:s3+s8], $0x80, s2, s8, $0xb8;
	[tilespmem:$0x1F800] =	vst v63  }
0x2b: {  	s11 =	sadd.s32 $0x1, s11;
	_ =	swait.ge [sflag:s10], $0x1F400  }
0x2c: {  	p0 =	sne.s32 s11, s4;
	[sflag:s10] =	ssyncset.done $0x0  }
.Ltmp1:
0x2d: {  	[sflag:s10] =	ssyncadd.s32 $0xFFFE0C00;
	(pc) =	sbr.rel @p0 .LBB2_1-.Ltmp1, $4  }
0x2e: {  	[hbm4b:s12+s2] =	stream.linear.scatter [tilespmem:s9], [sflag:$0x2], $0x1F400, $0x38;
	[tilespmem:$0x1F800] =	vst v63  }
0x2f: {  	_ =	swait.ge [sflag:s7], $0x1F400  }
0x30: {  	[sflag:s7] =	ssyncset.done $0x0  }
0x31: {  	[sflag:s7] =	ssyncadd.s32 $0xFFFE0C00  }
0x32: {  	_ =	sfence.sel $0x180000  }
0x33: {  	[bflag:$0x0] =	sbarrier.arrive $0xFFFF  }
0x34: {  	p0 =	sne.s32 s1, $0x0;
	_ =	strace $0x9000004A  }
0x35: {  	s0 =	sadd.s32 @!p0 $0x100000, s0;
	[bflag:$0x2] =	sbarrier.arrive $0xFFFF  }
0x36: {  	[sflag:s0] =	ssyncadd.tile.s32 @!p0 $0x1;
	_ =	shalt  }
.Lfunc_end2:
_tile_overlayer_lowered:
.L_overlay_start_2:
0x37: {  	(tag) =	ssettag $0x2  }
0x38: {  	s0 =	rddreg [dreg:$0x0];
	s2 =	stileid.u32  }
0x39: {  	s1 =	rddreg [dreg:$0x1];
	p0 =	sne.s32 s2, $0x0  }
0x3a: {  	s3 =	rddreg [dreg:$0x2];
	[bflag:$0x3] =	sbarrier.arrive $0xFFFF;
	s2 =	simm.s32 @!p0 $0x1C02  }
0x3b: {  	[timem:s3], [sflag:s2] =	dma.local @!p0 [hbm:s0], s1  }
0x3c: {  	s0 =	simm.s32 @!p0 $0x2  }
0x3d: {  	_ =	swait.ge @!p0 [sflag:s0], s1  }
0x3e: {  	s1 =	ssub.s32 @!p0 $0x0, s1;
	[sflag:s0] =	ssyncset.done @!p0 $0x0  }
0x3f: {  	[sflag:s0] =	ssyncadd.s32 @!p0 s1  }
0x40: {  	[bflag:$0x3] =	sbarrier.arrive $0xFFFF  }
0x41: {  	_ =	shalt  }

// kernel: kernel.21.cloned.1.call-start
scs
__scs_entry_jumppad:
0x0: {  	(pc) =	sbr.rel $0x88, $3  }
0x1: {  	(tag) =	ssettag $0x0;
	lr =	simm.s32 $0x1  }
0x2: {  	[smem:$0x3F88] =	sst lr;
	_ =	strace $0xD0000000  }
0x3: {  	_ = 	snop  }
0x4: {  	_ = 	snop  }
0x5: {  	_ = 	snop  }
0x6: {  	_ = 	snop  }
0x7: {  	_ = 	snop  }
__scs_overlays_trampoline_lowered:
0x8: {  	[smem:$0x3F97] =	sst s0  }
0x9: {  	[smem:$0x3F98] =	sst s1  }
0xa: {  	[smem:$0x3F99] =	sst s2  }
0xb: {  	[smem:$0x3F9A] =	sst s3  }
0xc: {  	[smem:$0x3F9B] =	sst s4  }
0xd: {  	[smem:$0x3F9C] =	sst s5  }
0xe: {  	[smem:$0x3F9D] =	sst s6  }
0xf: {  	[smem:$0x3F9E] =	sst s7  }
0x10: {  	[smem:$0x3F9F] =	sst s8  }
0x11: {  	[smem:$0x3FA0] =	sst s9;
	s0 =	simm.s32 @!p0 $0x0  }
0x12: {  	s1 =	sld [smem:$0x3F86];
	s0 =	simm.s32 @p0 $0x1  }
0x13: {  	[smem:$0x3FA1] =	sst s0;
	s0 =	simm.s32 @!p1 $0x0  }
0x14: {  	s2 =	sld [smem:$0x3F85];
	s0 =	simm.s32 @p1 $0x1  }
0x15: {  	[smem:$0x3FA2] =	sst s0;
	s0 =	simm.s32 @!p2 $0x0  }
0x16: {  	s3 =	sld [smem:$0x3FDB];
	s0 =	simm.s32 @p2 $0x1  }
0x17: {  	s4 =	simm.s32 $0x1BF5;
	[smem:$0x3FA4] =	sst s0  }
0x18: {  	s0 =	sld [smem:$0x3F87];
	_ =	swait.ge [sflag:s4], $0x0  }
0x19: {  	s7 =	sld [smem:$0x3F88]  }
0x1a: {  	s8 =	sadd.s32 $0xFFFFE003, lr  }
0x1b: {  	s9 =	sadd.s32 $0xFFFFFEF7, lr;
	s5 =	simm.s32 $0xFFFFFFFF;
	p2 =	slt.u32 s8, $0xFFFFF086  }
0x1c: {  	p1 =	slt.u32 s9, $0xF7A;
	s5 =	simm.s32 @!p2 $0x0  }
0x1d: {  	s5 =	simm.s32 @p1 $0x1;
	p0 =	seq.s32 s7, s2  }
0x1e: {  	s7 =	smul.u32 @!p0 $0xF7A, s2;
	p2 =	seq.s32 @!p0 s5, $0x0  }
0x1f: {  	s9 =	smul.u32 $0xF7A, s1;
	s8 =	simm.s32 @!p0 $0x1BF5;
	p2 =	por !p2, p0  }
0x20: {  	[sflag:s8] =	ssyncset.s32 @!p0 $0xFFFFF086;
	s6 =	sadd.s32 @!p0 s3, s7;
	s7 =	simm.s32 @!p0 $0x108  }
0x21: {  	s3 =	sadd.s32 s3, s9;
	s6 =	sadd.s32 @!p0 $0x88, s6;
	s7 =	simm.s32 @p2 $0x1082  }
0x22: {  	[simem:s7], [sflag:s8] =	dma.local @!p0 [hbm:s6], $0xF7A  }
0x23: {  	s9 =	sor.u32 $0xD0000000, s2;
	s6 =	simm.s32 $0x108;
	_ =	swait.ge @!p0 [sflag:s8], $0x0  }
0x24: {  	s3 =	sadd.s32 $0x88, s3;
	s6 =	simm.s32 @!p1 $0x1082;
	[sflag:s4] =	ssyncset.s32 $0xFFFFF086  }
0x25: {  	[simem:s6], [sflag:s4] =	dma.local [hbm:s3], $0xF7A  }
0x26: {  	[smem:$0x3F88] =	sst s1;
	(tag) =	ssettag s2;
	_ =	strace s9  }
0x27: {  	s1 =	sld [smem:$0x3F98]  }
0x28: {  	s2 =	sld [smem:$0x3F99]  }
0x29: {  	s4 =	sld [smem:$0x3F9B]  }
0x2a: {  	p0 =	seq.s32 s5, $0x0;
	s5 =	sld [smem:$0x3F9C]  }
0x2b: {  	s6 =	sld [smem:$0x3F9D]  }
0x2c: {  	s7 =	sld [smem:$0x3F9E]  }
0x2d: {  	s3 =	simm.s32 $0x108;
	s8 =	sld [smem:$0x3F9F]  }
0x2e: {  	s3 =	simm.s32 @!p0 $0x1082;
	s9 =	sld [smem:$0x3FA0]  }
0x2f: {  	lr =	sadd.s32 s0, s3;
	s0 =	sld [smem:$0x3F97]  }
0x30: {  	s3 =	sld [smem:$0x3F9A]  }
0x31: {  	[smem:$0x3FA3] =	sst s10  }
0x32: {  	s10 =	sld [smem:$0x3FA1];
	_ =	sdelay $0x3  }
0x33: {  	p0 =	seq.s32 s10, $0x1;
	s10 =	sld [smem:$0x3FA3];
	_ =	sdelay $0x3  }
0x34: {  	[smem:$0x3FA3] =	sst s10  }
0x35: {  	s10 =	sld [smem:$0x3FA2];
	_ =	sdelay $0x3  }
0x36: {  	p1 =	seq.s32 s10, $0x1;
	s10 =	sld [smem:$0x3FA3];
	_ =	sdelay $0x3  }
0x37: {  	[smem:$0x3FA3] =	sst s10  }
0x38: {  	s10 =	sld [smem:$0x3FA4]  }
0x39: {  	_ = 	snop;
	(pc) =	sbr.ind lr, $3  }
0x3a: {  	_ = 	snop  }
0x3b: {  	_ = 	snop  }
0x3c: {  	p2 =	seq.s32 s10, $0x1;
	s10 =	sld [smem:$0x3FA3]  }
0x3d: {  	_ =	shalt  }
0x3e: {  	_ =	shalt  }
0x3f: {  	_ =	shalt  }
0x40: {  	_ =	shalt  }
0x41: {  	_ =	shalt  }
0x42: {  	_ =	shalt  }
0x43: {  	_ =	shalt  }
0x44: {  	_ =	shalt  }
0x45: {  	_ =	shalt  }
0x46: {  	_ =	shalt  }
0x47: {  	_ =	shalt  }
0x48: {  	_ =	shalt  }
0x49: {  	_ =	shalt  }
0x4a: {  	_ =	shalt  }
0x4b: {  	_ =	shalt  }
0x4c: {  	_ =	shalt  }
0x4d: {  	_ =	shalt  }
0x4e: {  	_ =	shalt  }
0x4f: {  	_ =	shalt  }
0x50: {  	_ =	shalt  }
0x51: {  	_ =	shalt  }
0x52: {  	_ =	shalt  }
0x53: {  	_ =	shalt  }
0x54: {  	_ =	shalt  }
0x55: {  	_ =	shalt  }
0x56: {  	_ =	shalt  }
0x57: {  	_ =	shalt  }
0x58: {  	_ =	shalt  }
0x59: {  	_ =	shalt  }
0x5a: {  	_ =	shalt  }
0x5b: {  	_ =	shalt  }
0x5c: {  	_ =	shalt  }
0x5d: {  	_ =	shalt  }
0x5e: {  	_ =	shalt  }
0x5f: {  	_ =	shalt  }
0x60: {  	_ =	shalt  }
0x61: {  	_ =	shalt  }
0x62: {  	_ =	shalt  }
0x63: {  	_ =	shalt  }
0x64: {  	_ =	shalt  }
0x65: {  	_ =	shalt  }
0x66: {  	_ =	shalt  }
0x67: {  	_ =	shalt  }
0x68: {  	_ =	shalt  }
0x69: {  	_ =	shalt  }
0x6a: {  	_ =	shalt  }
0x6b: {  	_ =	shalt  }
0x6c: {  	_ =	shalt  }
0x6d: {  	_ =	shalt  }
0x6e: {  	_ =	shalt  }
0x6f: {  	_ =	shalt  }
0x70: {  	_ =	shalt  }
0x71: {  	_ =	shalt  }
0x72: {  	_ =	shalt  }
0x73: {  	_ =	shalt  }
0x74: {  	_ =	shalt  }
0x75: {  	_ =	shalt  }
0x76: {  	_ =	shalt  }
0x77: {  	_ =	shalt  }
0x78: {  	_ =	shalt  }
0x79: {  	_ =	shalt  }
0x7a: {  	_ =	shalt  }
0x7b: {  	_ =	shalt  }
0x7c: {  	_ =	shalt  }
0x7d: {  	_ =	shalt  }
0x7e: {  	_ =	shalt  }
0x7f: {  	_ =	shalt  }
0x80: {  	_ =	shalt  }
0x81: {  	_ =	shalt  }
0x82: {  	_ =	shalt  }
0x83: {  	_ =	shalt  }
0x84: {  	_ =	shalt  }
0x85: {  	_ =	shalt  }
0x86: {  	_ =	shalt  }
0x87: {  	_ =	shalt  }
.Lfunc_end0:
.L_simem_size_0:
called_computation.2_lowered:
.L_overlay_start_0:
0x88: {  	s2 =	sld [smem:$0x3FD9]  }
0x89: {  	s3 =	sld [smem:$0x3FFE];
	_ =	sdelay $0x1  }
0x8a: {  	s1 =	srdreg.scid  }
0x8b: {  	s0 =	sand.u32 $0x1, s1  }
0x8c: {  	s16 =	sshll.u32 s0, $0xA;
	s2 =	sadd.s32 s3, s2  }
0x8d: {  	s2 =	sadd.s32 s2, s16  }
0x8e: {  	[smem:$0x3FAF] =	sst s2  }
0x8f: {  	_ = 	snop  }
0x90: {  	(tm) =	ssettm $0x1  }
0x91: {  	s17 =	sld [smem:$0x3FFB];
	_ =	sdelay $0x3  }
0x92: {  	_ =	strace s17  }
0x93: {  	s2 =	sld [smem:$0x3FFC];
	_ =	sdelay $0x3  }
0x94: {  	_ =	strace s2  }
0x95: {  	s2 =	sld [smem:$0x3FFD];
	_ =	sdelay $0x3  }
0x96: {  	_ =	strace s2  }
0x97: {  	_ =	strace $0x8FFFFFFF  }
0x98: {  	s18 =	sld [smem:$0x3FDB];
	_ =	sdelay $0x1  }
0x99: {  	s19 =	simm.s32 $_scs_section_size  }
0x9a: {  	s4 =	simm.s32 $_size__tile_overlayer_lowered;
	s5 =	simm.s32 $_tile_overlayer_lowered  }
0x9b: {  	s22 =	simm.s32 $0x1BFF;
	s21 =	sshll.u32 s5, $0x1;
	s2 =	sadd.s32 s19, s18  }
0x9c: {  	s6 =	simm.s32 $0x0;
	s20 =	sshll.u32 s4, $0x1;
	s4 =	sadd.s32 s21, s2  }
0x9d: {  	[timem:s6], [sflag:s22] =	dma.local [hbm:s4], s20  }
0x9e: {  	_ =	swait.ge [sflag:s22], s20  }
0x9f: {  	s3 =	ssub.s32 $0x0, s20;
	[sflag:s22] =	ssyncset.done $0x0  }
0xa0: {  	[sflag:s22] =	ssyncadd.s32 s3;
	_ =	sdelay $0x1  }
0xa1: {  	s23 =	simm.s32 $0x1B8B  }
0xa2: {  	_ =	swait.ge [sflag:s23], $0x1  }
0xa3: {  	[sflag:s23] =	ssyncset.done $0x0  }
0xa4: {  	s25 =	simm.s32 $0x1B8E;
	s24 =	sld [smem:$0x3FFE];
	[sflag:s23] =	ssyncadd.s32 $0xFFFFFFFF  }
0xa5: {  	s26 =	simm.s32 $execute0_lowered;
	[smem:$0x3FD2] =	sst s25  }
0xa6: {  	s4 =	sshll.u32 s26, $0x1;
	_ =	strace $0x8000004C;
	[dreg:$0x1] =	wrdreg $0xFFFFFFFF  }
0xa7: {  	s28 =	simm.s32 $_size_execute0_lowered;
	s2 =	sadd.s32 s2, s4;
	[dreg:$0x0] =	wrdreg $0x0  }
0xa8: {  	s4 =	sshll.u32 s28, $0x1;
	[dreg:$0x2] =	wrdreg s2  }
0xa9: {  	[dreg:$0x3] =	wrdreg s4  }
0xaa: {  	[dreg:$0x4] =	wrdreg $0xC0  }
0xab: {  	_ =	task [dreg:s6], $0x5FFFF  }
0xac: {  	[dreg:$0x1] =	wrdreg $0xFFFFFFFF  }
0xad: {  	[dreg:$0x0] =	wrdreg $0x60  }
0xae: {  	[dreg:$0x2] =	wrdreg s24  }
0xaf: {  	[dreg:$0x3] =	wrdreg $0x9  }
0xb0: {  	_ =	task.clear_ibuf [dreg:s6], $0x4FFFF;
	_ =	strace $0x9000004C  }
0xb1: {  	s29 =	simm.s32 $0x9;
	_ =	strace $0x8000004E  }
0xb2: {  	_ =	swait.ge [sflag:s29], $0x1  }
0xb3: {  	[sflag:s29] =	ssyncadd.s32 $0xFFFFFFFF  }
0xb4: {  	_ =	strace $0x9000004E  }
0xb5: {  	_ =	sfence  }
0xb6: {  	s30 =	sld [smem:$0x0];
	_ =	sdelay $0x2  }
0xb7: {  	s31 =	sshll.u32 s1, $0xD;
	s1 =	sshrl.u32 s1, $0x2  }
0xb8: {  	s3 =	sand.u32 $0x4000, s31;
	s1 =	sadd.s32 s1, s30  }
0xb9: {  	s0 =	sor.u32 s3, s0;
	s1 =	sshll.u32 s1, $0x11  }
0xba: {  	s0 =	sor.u32 s1, s0  }
0xbb: {  	s0 =	sadd.s32 $0x8F2B, s0  }
0xbc: {  	[sflag:s0] =	ssyncadd.remote.s32 $0x1  }
0xbd: {  	_ =	sfence.sel $0xFFFF  }
0xbe: {  	[dreg:$0x0] =	wrdreg $0xFFFFFFFF;
	(pc) =	sbr.abs _section_cstart, $3  }
0xbf: {  	[dreg:$0x1] =	wrdreg $0xFFFFFFFF  }
0xc0: {  	_ =	task.clear_ibuf [dreg:s6], $0x2FFFF;
	_ =	strace $0x9FFFFFFF  }
0xc1: {  	(tm) =	ssettm $0x7FFFFFFF  }
tec
execute0_lowered:
.L_overlay_start_1:
0x0: {  	(tag) =	ssettag $0x1  }
0x1: {  	s4 =	rddreg [dreg:$0x0]  }
0x2: {  	s0 =	rddreg [dreg:$0x1]  }
0x3: {  	s3 =	srdreg.scid;
	s1 =	stileid.u32;
	s2 =	simm.s32 $0x0  }
0x4: {  	s10 =	simm.s32 $0x1;
	s11 =	simm.s32 $0x0;
	s6 =	smul.u32 $0x4E20, s1  }
0x5: {  	s5 =	sand.u32 $0x1, s3;
	[smem:$0x7FF] =	sst s2;
	s8 =	smul.u32 $0x4E200, s1  }
0x6: {  	s3 =	sadd.s32 $0x12200, s4;
	s7 =	smul.u32 $0x2710, s5;
	s9 =	ssub.s32 $0x2, s5  }
0x7: {  	_ =	strace $0x8000004D;
	s5 =	smul.u32 $0x27100, s5;
	s31 =	sshrl.u32 s9, $0x1  }
0x8: {  	s30 =	sadd.s32 s8, s4;
	s6 =	sadd.s32 s7, s6;
	s8 =	ssub.s32 s9, s31  }
0x9: {  	s5 =	sadd.s32 s5, s30;
	s7 =	simm.s32 $0x2;
	s6 =	sshrl.u32 s6, $0x3  }
0xa: {  	s9 =	simm.s32 $0x400;
	s5 =	sadd.s32 $0x39400, s5;
	s6 =	sadd.s32 s6, s4  }
0xb: {  	s4 =	smax.u32 s8, $0x1;
	s8 =	simm.s32 $0x3E8;
	s6 =	sadd.s32 $0x8400, s6  }
.LBB2_1:
0xc: {  	s12 =	sadd.s32 $0x0, s6  }
0xd: {  	[tilespmem:s2], [sflag:$0x2] =	stream.linear.gather [hbm4b:s12+s2], $0x3E8, $0x38;
	[tilespmem:$0x1F800] =	vst v63  }
0xe: {  	_ =	swait.ge [sflag:s7], $0x3E8  }
0xf: {  	[sflag:s7] =	ssyncset.done $0x0  }
0x10: {  	[sflag:s7] =	ssyncadd.s32 $0xFFFFFC18  }
0x11: {  	[tilespmem:s9], [sflag:$0x1] =	stream.indirect.gather [hbm4b:s3+s8], $0x80, s2, s8, $0xb8;
	[tilespmem:$0x1F800] =	vst v63  }
0x12: {  	_ =	swait.ge [sflag:s10], $0x1F400  }
0x13: {  	[sflag:s10] =	ssyncset.done $0x0  }
0x14: {  	[sflag:s10] =	ssyncadd.s32 $0xFFFE0C00  }
0x15: {  	[hbm4b:s5+s2] =	stream.linear.scatter [tilespmem:s9], [sflag:$0x2], $0x1F400, $0x38;
	[tilespmem:$0x1F800] =	vst v63  }
0x16: {  	s13 =	simm.s32 $0x7D;
	_ =	swait.ge [sflag:s7], $0x1F400  }
0x17: {  	s14 =	simm.s32 $0xFA;
	s12 =	sadd.s32 $0x3E80, s5;
	[sflag:s7] =	ssyncset.done $0x0  }
.LBB2_2:
0x18: {  	s15 =	sadd.s32 s13, s6  }
0x19: {  	[sflag:s7] =	ssyncadd.s32 $0xFFFE0C00;
	s13 =	smov.u32 s14;
	s16 =	sadd.s32 $0x7D, s14  }
0x1a: {  	[tilespmem:s2], [sflag:$0x2] =	stream.linear.gather [hbm4b:s15+s2], $0x3E8, $0x38;
	[tilespmem:$0x1F800] =	vst v63  }
0x1b: {  	p0 =	sne.s32 s14, $0x465;
	_ =	swait.ge [sflag:s7], $0x3E8  }
0x1c: {  	[sflag:s7] =	ssyncset.done $0x0  }
0x1d: {  	[sflag:s7] =	ssyncadd.s32 $0xFFFFFC18  }
0x1e: {  	[tilespmem:s9], [sflag:$0x1] =	stream.indirect.gather [hbm4b:s3+s8], $0x80, s2, s8, $0xb8;
	[tilespmem:$0x1F800] =	vst v63  }
0x1f: {  	_ =	swait.ge [sflag:s10], $0x1F400  }
.Ltmp0:
0x20: {  	[sflag:s10] =	ssyncset.done $0x0;
	(pc) =	sbr.rel @p0 .LBB2_2-.Ltmp0, $4  }
0x21: {  	[sflag:s10] =	ssyncadd.s32 $0xFFFE0C00  }
0x22: {  	[hbm4b:s12+s2] =	stream.linear.scatter [tilespmem:s9], [sflag:$0x2], $0x1F400, $0x38;
	[tilespmem:$0x1F800] =	vst v63  }
0x23: {  	_ =	swait.ge [sflag:s7], $0x1F400  }
0x24: {  	s14 =	smov.u32 s16;
	s12 =	sadd.s32 $0x3E80, s12;
	[sflag:s7] =	ssyncset.done $0x0  }
0x25: {  	s13 =	sadd.s32 s13, s6;
	[sflag:s7] =	ssyncadd.s32 $0xFFFE0C00  }
0x26: {  	[tilespmem:s2], [sflag:$0x2] =	stream.linear.gather [hbm4b:s13+s2], $0x3E8, $0x38;
	[tilespmem:$0x1F800] =	vst v63  }
0x27: {  	_ =	swait.ge [sflag:s7], $0x3E8  }
0x28: {  	[sflag:s7] =	ssyncset.done $0x0  }
0x29: {  	[sflag:s7] =	ssyncadd.s32 $0xFFFFFC18  }
0x2a: {  	[tilespmem:s9], [sflag:$0x1] =	stream.indirect.gather [hbm4b:s3+s8], $0x80, s2, s8, $0xb8;
	[tilespmem:$0x1F800] =	vst v63  }
0x2b: {  	s11 =	sadd.s32 $0x1, s11;
	_ =	swait.ge [sflag:s10], $0x1F400  }
0x2c: {  	p0 =	sne.s32 s11, s4;
	[sflag:s10] =	ssyncset.done $0x0  }
.Ltmp1:
0x2d: {  	[sflag:s10] =	ssyncadd.s32 $0xFFFE0C00;
	(pc) =	sbr.rel @p0 .LBB2_1-.Ltmp1, $4  }
0x2e: {  	[hbm4b:s12+s2] =	stream.linear.scatter [tilespmem:s9], [sflag:$0x2], $0x1F400, $0x38;
	[tilespmem:$0x1F800] =	vst v63  }
0x2f: {  	_ =	swait.ge [sflag:s7], $0x1F400  }
0x30: {  	[sflag:s7] =	ssyncset.done $0x0  }
0x31: {  	[sflag:s7] =	ssyncadd.s32 $0xFFFE0C00  }
0x32: {  	_ =	sfence.sel $0x180000  }
0x33: {  	[bflag:$0x0] =	sbarrier.arrive $0xFFFF  }
0x34: {  	p0 =	sne.s32 s1, $0x0;
	_ =	strace $0x9000004D  }
0x35: {  	s0 =	sadd.s32 @!p0 $0x100000, s0;
	[bflag:$0x2] =	sbarrier.arrive $0xFFFF  }
0x36: {  	[sflag:s0] =	ssyncadd.tile.s32 @!p0 $0x1;
	_ =	shalt  }
.Lfunc_end2:
_tile_overlayer_lowered:
.L_overlay_start_2:
0x37: {  	(tag) =	ssettag $0x2  }
0x38: {  	s0 =	rddreg [dreg:$0x0];
	s2 =	stileid.u32  }
0x39: {  	s1 =	rddreg [dreg:$0x1];
	p0 =	sne.s32 s2, $0x0  }
0x3a: {  	s3 =	rddreg [dreg:$0x2];
	[bflag:$0x3] =	sbarrier.arrive $0xFFFF;
	s2 =	simm.s32 @!p0 $0x1C02  }
0x3b: {  	[timem:s3], [sflag:s2] =	dma.local @!p0 [hbm:s0], s1  }
0x3c: {  	s0 =	simm.s32 @!p0 $0x2  }
0x3d: {  	_ =	swait.ge @!p0 [sflag:s0], s1  }
0x3e: {  	s1 =	ssub.s32 @!p0 $0x0, s1;
	[sflag:s0] =	ssyncset.done @!p0 $0x0  }
0x3f: {  	[sflag:s0] =	ssyncadd.s32 @!p0 s1  }
0x40: {  	[bflag:$0x3] =	sbarrier.arrive $0xFFFF  }
0x41: {  	_ =	shalt  }

</sc_bundles>
